<compile_context>
chip_gen: v7x
topology: tpu7x:2x2x1
jax: 0.10.2.dev20260603
libtpu: 0.0.44.dev20260713+nightly
codegen_flags: <defaults>
</compile_context>

<pallas_src>
import functools

import jax
import jax.numpy as jnp
from jax import lax
from jax.experimental import pallas as pl
from jax.experimental.pallas import tpu as pltpu
from jax.experimental.pallas import tpu_sc as plsc

BATCH = 16384
_VPAD = 1000448

try:
    _INFO = plsc.get_sparse_core_info()
    _NC = _INFO.num_cores
    _NS = _INFO.num_subcores
    _L = _INFO.num_lanes
except Exception:
    _NC, _NS, _L = 2, 16, 16
_NW = _NC * _NS
_BPW = BATCH // _NW
_CHUNK = 128
_NCHUNK = _BPW // _CHUNK
_NSL = _BPW // _L

_mesh = plsc.VectorSubcoreMesh(core_axis_name="c", subcore_axis_name="s")


@functools.partial(
    pl.kernel,
    out_type=jax.ShapeDtypeStruct((BATCH,), jnp.float32),
    mesh=_mesh,
    compiler_params=pltpu.CompilerParams(needs_layout_passes=False),
    scratch_types=[
        pltpu.VMEM((_BPW,), jnp.int32),
        pltpu.VMEM((_BPW,), jnp.int32),
        pltpu.VMEM((_NCHUNK, _CHUNK), jnp.int32),
        pltpu.VMEM((_NCHUNK, _CHUNK), jnp.int32),
        pltpu.VMEM((_BPW,), jnp.float32),
        pltpu.VMEM((_BPW,), jnp.float32),
        pltpu.VMEM((_BPW,), jnp.float32),
        pltpu.VMEM((_BPW,), jnp.float32),
        pltpu.VMEM((_L,), jnp.float32),
        pltpu.VMEM((_BPW,), jnp.float32),
        pltpu.SemaphoreType.DMA,
    ],
)
def _fm_sc(u_hbm, i_hbm, ub_hbm, ib_hbm, ue_hbm, ie_hbm, w0_hbm, out_hbm,
           u_v, i_v, uidx_v, iidx_v, ub_v, ib_v, ue_v, ie_v, w0_v, out_v, sem):
    wid = lax.axis_index("s") * _NC + lax.axis_index("c")
    base = wid * _BPW

    pltpu.sync_copy(u_hbm.at[pl.ds(base, _BPW)], u_v)
    pltpu.sync_copy(i_hbm.at[pl.ds(base, _BPW)], i_v)
    pltpu.sync_copy(w0_hbm, w0_v)

    for j in range(_NSL):
        sl = pl.ds(j * _L, _L)
        uidx_v[j // 8, pl.ds((j % 8) * _L, _L)] = u_v[sl]
        iidx_v[j // 8, pl.ds((j % 8) * _L, _L)] = i_v[sl]

    copies = []
    for j in range(_NCHUNK):
        sl = pl.ds(j * _CHUNK, _CHUNK)
        copies.append(pltpu.async_copy(ub_hbm.at[uidx_v.at[j]], ub_v.at[sl], sem))
        copies.append(pltpu.async_copy(ib_hbm.at[iidx_v.at[j]], ib_v.at[sl], sem))
        copies.append(pltpu.async_copy(ue_hbm.at[uidx_v.at[j]], ue_v.at[sl], sem))
        copies.append(pltpu.async_copy(ie_hbm.at[iidx_v.at[j]], ie_v.at[sl], sem))
    for c in copies:
        c.wait()

    w0r = w0_v[...]
    for j in range(_NSL):
        sl = pl.ds(j * _L, _L)
        out_v[sl] = w0r + ub_v[sl] + ib_v[sl] + ue_v[sl] * ie_v[sl]

    pltpu.sync_copy(out_v, out_hbm.at[pl.ds(base, _BPW)])


def _flat(table):
    n = table.shape[0]
    return jnp.pad(table, ((0, _VPAD - n), (0, 0))).reshape(-1)


def kernel(INPUT, userBias, itemBias, userEmbed, itemEmbed, w0):
    ids = INPUT.astype(jnp.int32)
    out = _fm_sc(
        ids[:, 0],
        ids[:, 1],
        _flat(userBias),
        _flat(itemBias),
        _flat(userEmbed),
        _flat(itemEmbed),
        jnp.broadcast_to(w0.reshape(()), (_L,)),
    )
    return out.reshape(BATCH, 1)

# --- scband reference (transcript-rebuilt; emitter-appended) ---
"""Pipeline reference for scband-fm-33011118637177 (READ-ONLY COPY).

The authoritative reference and input builder live on the scoring server;
editing this copy changes nothing except your own understanding.
"""

import jax, jax.numpy as jnp
import numpy as np

USER_NUM = 1000000
ITEM_NUM = 1000000
BATCH = 16384


def setup_inputs(seed: int = 0) -> dict:
    key = jax.random.key(seed)
    k_inp, k_ub, k_ib, k_ue, k_ie, k_w0 = jax.random.split(key, 6)
    INPUT = jax.random.randint(k_inp, (BATCH, 2), 0, min(USER_NUM, ITEM_NUM), dtype=jnp.int64 if jax.config.read('jax_enable_x64') else jnp.int32)
    # Learned parameters (all Embed layers in the module have features=1)
    userBias = jax.random.normal(k_ub, (USER_NUM, 1), dtype=jnp.float32) * 0.01
    itemBias = jax.random.normal(k_ib, (ITEM_NUM, 1), dtype=jnp.float32) * 0.01
    userEmbed = jax.random.normal(k_ue, (USER_NUM, 1), dtype=jnp.float32) * 0.01
    itemEmbed = jax.random.normal(k_ie, (ITEM_NUM, 1), dtype=jnp.float32) * 0.01
    w0 = jax.random.normal(k_w0, (1, 1), dtype=jnp.float32)
    return {
        "INPUT": INPUT,
        "userBias": userBias,
        "itemBias": itemBias,
        "userEmbed": userEmbed,
        "itemEmbed": itemEmbed,
        "w0": w0,
    }


def reference(INPUT, userBias, itemBias, userEmbed, itemEmbed, w0):
    user_ids = INPUT[:, 0]
    item_ids = INPUT[:, 1]
    userLinearTerm = jnp.take(userBias, user_ids, axis=0)   # [B, 1]
    itemLinearTerm = jnp.take(itemBias, item_ids, axis=0)   # [B, 1]
    interactionTerm = jnp.sum(
        jnp.take(userEmbed, user_ids, axis=0) * jnp.take(itemEmbed, item_ids, axis=0),
        axis=1, keepdims=True,
    )  # [B, 1]
    return w0 + userLinearTerm + itemLinearTerm + interactionTerm

if __name__ == "__main__":
    import jax
    _d = setup_inputs()
    print(jax.jit(kernel)(*tuple(_d.values())))

</pallas_src>

<mosaic_0001>
#map = affine_map<(d0, d1) -> (0)>
module attributes {stable_mosaic.version = 14 : i64} {
  func.func @_fm_sc(%arg0: i32, %arg1: i32, %arg2: memref<16384xi32, #tpu.memory_space<hbm>>, %arg3: memref<16384xi32, #tpu.memory_space<hbm>>, %arg4: memref<1000448xf32, #tpu.memory_space<hbm>>, %arg5: memref<1000448xf32, #tpu.memory_space<hbm>>, %arg6: memref<1000448xf32, #tpu.memory_space<hbm>>, %arg7: memref<1000448xf32, #tpu.memory_space<hbm>>, %arg8: memref<16xf32, #tpu.memory_space<hbm>>, %arg9: memref<16384xf32, #tpu.memory_space<hbm>>, %arg10: memref<512xi32, #tpu.memory_space<vmem>>, %arg11: memref<512xi32, #tpu.memory_space<vmem>>, %arg12: memref<4x128xi32, #tpu.memory_space<vmem>>, %arg13: memref<4x128xi32, #tpu.memory_space<vmem>>, %arg14: memref<512xf32, #tpu.memory_space<vmem>>, %arg15: memref<512xf32, #tpu.memory_space<vmem>>, %arg16: memref<512xf32, #tpu.memory_space<vmem>>, %arg17: memref<512xf32, #tpu.memory_space<vmem>>, %arg18: memref<16xf32, #tpu.memory_space<vmem>>, %arg19: memref<512xf32, #tpu.memory_space<vmem>>, %arg20: memref<!tpu.dma_semaphore, #tpu.memory_space<semaphore_mem>>) attributes {dimension_semantics = [#tpu.dimension_semantics<core_parallel>, #tpu.dimension_semantics<subcore_parallel>], iteration_bounds = array<i64: 2, 16>, scalar_prefetch = 0 : i64, scratch_operands = 11 : i64, tpu.core_type = #tpu.core_type<sc_vector_subcore>, window_params = [{transform_indices = #map}, {transform_indices = #map}, {transform_indices = #map}, {transform_indices = #map}, {transform_indices = #map}, {transform_indices = #map}, {transform_indices = #map}, {transform_indices = #map}]} {
    %mul3A = arith.constant 2 : i32
    %mul3A_0 = arith.muli %arg1, %mul3A : i32
    %add3A = arith.addi %mul3A_0, %arg0 : i32
    %mul3A_1 = arith.constant 512 : i32
    %mul3A_2 = arith.muli %add3A, %mul3A_1 : i32
    "tpu.region"() ({
      %run_scoped3A = tpu.sem_alloc : memref<!tpu.dma_semaphore, #tpu.memory_space<semaphore_mem>>
      %dma_start3A_1089 = tpu.memref_slice %arg2[%mul3A_2] : memref<16384xi32, #tpu.memory_space<hbm>> -> memref<512xi32, #tpu.memory_space<hbm>>
      %dma_start3A_1090 = tpu.memref_slice %arg2[%mul3A_2] : memref<16384xi32, #tpu.memory_space<hbm>> -> memref<512xi32, #tpu.memory_space<hbm>>
      tpu.enqueue_dma source(%dma_start3A_1090 : memref<512xi32, #tpu.memory_space<hbm>>) target(%arg10 : memref<512xi32, #tpu.memory_space<vmem>>) target_semaphore(%run_scoped3A : memref<!tpu.dma_semaphore, #tpu.memory_space<semaphore_mem>>)
      %dma_wait3A_1091 = tpu.memref_slice %arg2[%mul3A_2] : memref<16384xi32, #tpu.memory_space<hbm>> -> memref<512xi32, #tpu.memory_space<hbm>>
      %dma_wait3A_1092 = tpu.memref_slice %arg2[%mul3A_2] : memref<16384xi32, #tpu.memory_space<hbm>> -> memref<512xi32, #tpu.memory_space<hbm>>
      tpu.wait_dma2 semaphore(%run_scoped3A : memref<!tpu.dma_semaphore, #tpu.memory_space<semaphore_mem>>) src(%dma_wait3A_1092 : memref<512xi32, #tpu.memory_space<hbm>>) dst(%arg10 : memref<512xi32, #tpu.memory_space<vmem>>)
      tpu.yield
    }) : () -> ()
    "tpu.region"() ({
      %run_scoped3A = tpu.sem_alloc : memref<!tpu.dma_semaphore, #tpu.memory_space<semaphore_mem>>
      %dma_start3A_1089 = tpu.memref_slice %arg3[%mul3A_2] : memref<16384xi32, #tpu.memory_space<hbm>> -> memref<512xi32, #tpu.memory_space<hbm>>
      %dma_start3A_1090 = tpu.memref_slice %arg3[%mul3A_2] : memref<16384xi32, #tpu.memory_space<hbm>> -> memref<512xi32, #tpu.memory_space<hbm>>
      tpu.enqueue_dma source(%dma_start3A_1090 : memref<512xi32, #tpu.memory_space<hbm>>) target(%arg11 : memref<512xi32, #tpu.memory_space<vmem>>) target_semaphore(%run_scoped3A : memref<!tpu.dma_semaphore, #tpu.memory_space<semaphore_mem>>)
      %dma_wait3A_1091 = tpu.memref_slice %arg3[%mul3A_2] : memref<16384xi32, #tpu.memory_space<hbm>> -> memref<512xi32, #tpu.memory_space<hbm>>
      %dma_wait3A_1092 = tpu.memref_slice %arg3[%mul3A_2] : memref<16384xi32, #tpu.memory_space<hbm>> -> memref<512xi32, #tpu.memory_space<hbm>>
      tpu.wait_dma2 semaphore(%run_scoped3A : memref<!tpu.dma_semaphore, #tpu.memory_space<semaphore_mem>>) src(%dma_wait3A_1092 : memref<512xi32, #tpu.memory_space<hbm>>) dst(%arg11 : memref<512xi32, #tpu.memory_space<vmem>>)
      tpu.yield
    }) : () -> ()
    "tpu.region"() ({
      %run_scoped3A = tpu.sem_alloc : memref<!tpu.dma_semaphore, #tpu.memory_space<semaphore_mem>>
      tpu.enqueue_dma source(%arg8 : memref<16xf32, #tpu.memory_space<hbm>>) target(%arg18 : memref<16xf32, #tpu.memory_space<vmem>>) target_semaphore(%run_scoped3A : memref<!tpu.dma_semaphore, #tpu.memory_space<semaphore_mem>>)
      tpu.wait_dma2 semaphore(%run_scoped3A : memref<!tpu.dma_semaphore, #tpu.memory_space<semaphore_mem>>) src(%arg8 : memref<16xf32, #tpu.memory_space<hbm>>) dst(%arg18 : memref<16xf32, #tpu.memory_space<vmem>>)
      tpu.yield
    }) : () -> ()
    %get3A = arith.constant 0 : index
    %get3A_3 = tpu.vector_load %arg10[%get3A] {strides = array<i32>} : memref<512xi32, #tpu.memory_space<vmem>>, vector<16xi32>,
    %swap3A = arith.constant 0 : i32
    %swap3A_4 = arith.index_cast %swap3A : i32 to index
    %swap3A_5 = arith.constant 0 : index
    %swap3A_6 = tpu.vector_load %arg12[%swap3A_4, %swap3A_5] {strides = array<i32>} : memref<4x128xi32, #tpu.memory_space<vmem>>, vector<16xi32>,
    tpu.vector_store %arg12[%swap3A_4, %swap3A_5], %get3A_3 {strides = array<i32>} : memref<4x128xi32, #tpu.memory_space<vmem>>, vector<16xi32>,
    %get3A_7 = arith.constant 0 : index
    %get3A_8 = tpu.vector_load %arg11[%get3A_7] {strides = array<i32>} : memref<512xi32, #tpu.memory_space<vmem>>, vector<16xi32>,
    %swap3A_9 = arith.constant 0 : i32
    %swap3A_10 = arith.index_cast %swap3A_9 : i32 to index
    %swap3A_11 = arith.constant 0 : index
    %swap3A_12 = tpu.vector_load %arg13[%swap3A_10, %swap3A_11] {strides = array<i32>} : memref<4x128xi32, #tpu.memory_space<vmem>>, vector<16xi32>,
    tpu.vector_store %arg13[%swap3A_10, %swap3A_11], %get3A_8 {strides = array<i32>} : memref<4x128xi32, #tpu.memory_space<vmem>>, vector<16xi32>,
    %get3A_13 = arith.constant 16 : index
    %get3A_14 = tpu.vector_load %arg10[%get3A_13] {strides = array<i32>} : memref<512xi32, #tpu.memory_space<vmem>>, vector<16xi32>,
    %swap3A_15 = arith.constant 0 : i32
    %swap3A_16 = arith.index_cast %swap3A_15 : i32 to index
    %swap3A_17 = arith.constant 16 : index
    %swap3A_18 = tpu.vector_load %arg12[%swap3A_16, %swap3A_17] {strides = array<i32>} : memref<4x128xi32, #tpu.memory_space<vmem>>, vector<16xi32>,
    tpu.vector_store %arg12[%swap3A_16, %swap3A_17], %get3A_14 {strides = array<i32>} : memref<4x128xi32, #tpu.memory_space<vmem>>, vector<16xi32>,
    %get3A_19 = arith.constant 16 : index
    %get3A_20 = tpu.vector_load %arg11[%get3A_19] {strides = array<i32>} : memref<512xi32, #tpu.memory_space<vmem>>, vector<16xi32>,
    %swap3A_21 = arith.constant 0 : i32
    %swap3A_22 = arith.index_cast %swap3A_21 : i32 to index
    %swap3A_23 = arith.constant 16 : index
    %swap3A_24 = tpu.vector_load %arg13[%swap3A_22, %swap3A_23] {strides = array<i32>} : memref<4x128xi32, #tpu.memory_space<vmem>>, vector<16xi32>,
    tpu.vector_store %arg13[%swap3A_22, %swap3A_23], %get3A_20 {strides = array<i32>} : memref<4x128xi32, #tpu.memory_space<vmem>>, vector<16xi32>,
    %get3A_25 = arith.constant 32 : index
    %get3A_26 = tpu.vector_load %arg10[%get3A_25] {strides = array<i32>} : memref<512xi32, #tpu.memory_space<vmem>>, vector<16xi32>,
    %swap3A_27 = arith.constant 0 : i32
    %swap3A_28 = arith.index_cast %swap3A_27 : i32 to index
    %swap3A_29 = arith.constant 32 : index
    %swap3A_30 = tpu.vector_load %arg12[%swap3A_28, %swap3A_29] {strides = array<i32>} : memref<4x128xi32, #tpu.memory_space<vmem>>, vector<16xi32>,
    tpu.vector_store %arg12[%swap3A_28, %swap3A_29], %get3A_26 {strides = array<i32>} : memref<4x128xi32, #tpu.memory_space<vmem>>, vector<16xi32>,
    %get3A_31 = arith.constant 32 : index
    %get3A_32 = tpu.vector_load %arg11[%get3A_31] {strides = array<i32>} : memref<512xi32, #tpu.memory_space<vmem>>, vector<16xi32>,
    %swap3A_33 = arith.constant 0 : i32
    %swap3A_34 = arith.index_cast %swap3A_33 : i32 to index
    %swap3A_35 = arith.constant 32 : index
    %swap3A_36 = tpu.vector_load %arg13[%swap3A_34, %swap3A_35] {strides = array<i32>} : memref<4x128xi32, #tpu.memory_space<vmem>>, vector<16xi32>,
    tpu.vector_store %arg13[%swap3A_34, %swap3A_35], %get3A_32 {strides = array<i32>} : memref<4x128xi32, #tpu.memory_space<vmem>>, vector<16xi32>,
    %get3A_37 = arith.constant 48 : index
    %get3A_38 = tpu.vector_load %arg10[%get3A_37] {strides = array<i32>} : memref<512xi32, #tpu.memory_space<vmem>>, vector<16xi32>,
    %swap3A_39 = arith.constant 0 : i32
    %swap3A_40 = arith.index_cast %swap3A_39 : i32 to index
    %swap3A_41 = arith.constant 48 : index
    %swap3A_42 = tpu.vector_load %arg12[%swap3A_40, %swap3A_41] {strides = array<i32>} : memref<4x128xi32, #tpu.memory_space<vmem>>, vector<16xi32>,
    tpu.vector_store %arg12[%swap3A_40, %swap3A_41], %get3A_38 {strides = array<i32>} : memref<4x128xi32, #tpu.memory_space<vmem>>, vector<16xi32>,
    %get3A_43 = arith.constant 48 : index
    %get3A_44 = tpu.vector_load %arg11[%get3A_43] {strides = array<i32>} : memref<512xi32, #tpu.memory_space<vmem>>, vector<16xi32>,
    %swap3A_45 = arith.constant 0 : i32
    %swap3A_46 = arith.index_cast %swap3A_45 : i32 to index
    %swap3A_47 = arith.constant 48 : index
    %swap3A_48 = tpu.vector_load %arg13[%swap3A_46, %swap3A_47] {strides = array<i32>} : memref<4x128xi32, #tpu.memory_space<vmem>>, vector<16xi32>,
    tpu.vector_store %arg13[%swap3A_46, %swap3A_47], %get3A_44 {strides = array<i32>} : memref<4x128xi32, #tpu.memory_space<vmem>>, vector<16xi32>,
    %get3A_49 = arith.constant 64 : index
    %get3A_50 = tpu.vector_load %arg10[%get3A_49] {strides = array<i32>} : memref<512xi32, #tpu.memory_space<vmem>>, vector<16xi32>,
    %swap3A_51 = arith.constant 0 : i32
    %swap3A_52 = arith.index_cast %swap3A_51 : i32 to index
    %swap3A_53 = arith.constant 64 : index
    %swap3A_54 = tpu.vector_load %arg12[%swap3A_52, %swap3A_53] {strides = array<i32>} : memref<4x128xi32, #tpu.memory_space<vmem>>, vector<16xi32>,
    tpu.vector_store %arg12[%swap3A_52, %swap3A_53], %get3A_50 {strides = array<i32>} : memref<4x128xi32, #tpu.memory_space<vmem>>, vector<16xi32>,
    %get3A_55 = arith.constant 64 : index
    %get3A_56 = tpu.vector_load %arg11[%get3A_55] {strides = array<i32>} : memref<512xi32, #tpu.memory_space<vmem>>, vector<16xi32>,
    %swap3A_57 = arith.constant 0 : i32
    %swap3A_58 = arith.index_cast %swap3A_57 : i32 to index
    %swap3A_59 = arith.constant 64 : index
    %swap3A_60 = tpu.vector_load %arg13[%swap3A_58, %swap3A_59] {strides = array<i32>} : memref<4x128xi32, #tpu.memory_space<vmem>>, vector<16xi32>,
    tpu.vector_store %arg13[%swap3A_58, %swap3A_59], %get3A_56 {strides = array<i32>} : memref<4x128xi32, #tpu.memory_space<vmem>>, vector<16xi32>,
    %get3A_61 = arith.constant 80 : index
    %get3A_62 = tpu.vector_load %arg10[%get3A_61] {strides = array<i32>} : memref<512xi32, #tpu.memory_space<vmem>>, vector<16xi32>,
    %swap3A_63 = arith.constant 0 : i32
    %swap3A_64 = arith.index_cast %swap3A_63 : i32 to index
    %swap3A_65 = arith.constant 80 : index
    %swap3A_66 = tpu.vector_load %arg12[%swap3A_64, %swap3A_65] {strides = array<i32>} : memref<4x128xi32, #tpu.memory_space<vmem>>, vector<16xi32>,
    tpu.vector_store %arg12[%swap3A_64, %swap3A_65], %get3A_62 {strides = array<i32>} : memref<4x128xi32, #tpu.memory_space<vmem>>, vector<16xi32>,
    %get3A_67 = arith.constant 80 : index
    %get3A_68 = tpu.vector_load %arg11[%get3A_67] {strides = array<i32>} : memref<512xi32, #tpu.memory_space<vmem>>, vector<16xi32>,
    %swap3A_69 = arith.constant 0 : i32
    %swap3A_70 = arith.index_cast %swap3A_69 : i32 to index
    %swap3A_71 = arith.constant 80 : index
    %swap3A_72 = tpu.vector_load %arg13[%swap3A_70, %swap3A_71] {strides = array<i32>} : memref<4x128xi32, #tpu.memory_space<vmem>>, vector<16xi32>,
    tpu.vector_store %arg13[%swap3A_70, %swap3A_71], %get3A_68 {strides = array<i32>} : memref<4x128xi32, #tpu.memory_space<vmem>>, vector<16xi32>,
    %get3A_73 = arith.constant 96 : index
    %get3A_74 = tpu.vector_load %arg10[%get3A_73] {strides = array<i32>} : memref<512xi32, #tpu.memory_space<vmem>>, vector<16xi32>,
    %swap3A_75 = arith.constant 0 : i32
    %swap3A_76 = arith.index_cast %swap3A_75 : i32 to index
    %swap3A_77 = arith.constant 96 : index
    %swap3A_78 = tpu.vector_load %arg12[%swap3A_76, %swap3A_77] {strides = array<i32>} : memref<4x128xi32, #tpu.memory_space<vmem>>, vector<16xi32>,
    tpu.vector_store %arg12[%swap3A_76, %swap3A_77], %get3A_74 {strides = array<i32>} : memref<4x128xi32, #tpu.memory_space<vmem>>, vector<16xi32>,
    %get3A_79 = arith.constant 96 : index
    %get3A_80 = tpu.vector_load %arg11[%get3A_79] {strides = array<i32>} : memref<512xi32, #tpu.memory_space<vmem>>, vector<16xi32>,
    %swap3A_81 = arith.constant 0 : i32
    %swap3A_82 = arith.index_cast %swap3A_81 : i32 to index
    %swap3A_83 = arith.constant 96 : index
    %swap3A_84 = tpu.vector_load %arg13[%swap3A_82, %swap3A_83] {strides = array<i32>} : memref<4x128xi32, #tpu.memory_space<vmem>>, vector<16xi32>,
    tpu.vector_store %arg13[%swap3A_82, %swap3A_83], %get3A_80 {strides = array<i32>} : memref<4x128xi32, #tpu.memory_space<vmem>>, vector<16xi32>,
    %get3A_85 = arith.constant 112 : index
    %get3A_86 = tpu.vector_load %arg10[%get3A_85] {strides = array<i32>} : memref<512xi32, #tpu.memory_space<vmem>>, vector<16xi32>,
    %swap3A_87 = arith.constant 0 : i32
    %swap3A_88 = arith.index_cast %swap3A_87 : i32 to index
    %swap3A_89 = arith.constant 112 : index
    %swap3A_90 = tpu.vector_load %arg12[%swap3A_88, %swap3A_89] {strides = array<i32>} : memref<4x128xi32, #tpu.memory_space<vmem>>, vector<16xi32>,
    tpu.vector_store %arg12[%swap3A_88, %swap3A_89], %get3A_86 {strides = array<i32>} : memref<4x128xi32, #tpu.memory_space<vmem>>, vector<16xi32>,
    %get3A_91 = arith.constant 112 : index
    %get3A_92 = tpu.vector_load %arg11[%get3A_91] {strides = array<i32>} : memref<512xi32, #tpu.memory_space<vmem>>, vector<16xi32>,
    %swap3A_93 = arith.constant 0 : i32
    %swap3A_94 = arith.index_cast %swap3A_93 : i32 to index
    %swap3A_95 = arith.constant 112 : index
    %swap3A_96 = tpu.vector_load %arg13[%swap3A_94, %swap3A_95] {strides = array<i32>} : memref<4x128xi32, #tpu.memory_space<vmem>>, vector<16xi32>,
    tpu.vector_store %arg13[%swap3A_94, %swap3A_95], %get3A_92 {strides = array<i32>} : memref<4x128xi32, #tpu.memory_space<vmem>>, vector<16xi32>,
    %get3A_97 = arith.constant 128 : index
    %get3A_98 = tpu.vector_load %arg10[%get3A_97] {strides = array<i32>} : memref<512xi32, #tpu.memory_space<vmem>>, vector<16xi32>,
    %swap3A_99 = arith.constant 1 : i32
    %swap3A_100 = arith.index_cast %swap3A_99 : i32 to index
    %swap3A_101 = arith.constant 0 : index
    %swap3A_102 = tpu.vector_load %arg12[%swap3A_100, %swap3A_101] {strides = array<i32>} : memref<4x128xi32, #tpu.memory_space<vmem>>, vector<16xi32>,
    tpu.vector_store %arg12[%swap3A_100, %swap3A_101], %get3A_98 {strides = array<i32>} : memref<4x128xi32, #tpu.memory_space<vmem>>, vector<16xi32>,
    %get3A_103 = arith.constant 128 : index
    %get3A_104 = tpu.vector_load %arg11[%get3A_103] {strides = array<i32>} : memref<512xi32, #tpu.memory_space<vmem>>, vector<16xi32>,
    %swap3A_105 = arith.constant 1 : i32
    %swap3A_106 = arith.index_cast %swap3A_105 : i32 to index
    %swap3A_107 = arith.constant 0 : index
    %swap3A_108 = tpu.vector_load %arg13[%swap3A_106, %swap3A_107] {strides = array<i32>} : memref<4x128xi32, #tpu.memory_space<vmem>>, vector<16xi32>,
    tpu.vector_store %arg13[%swap3A_106, %swap3A_107], %get3A_104 {strides = array<i32>} : memref<4x128xi32, #tpu.memory_space<vmem>>, vector<16xi32>,
    %get3A_109 = arith.constant 144 : index
    %get3A_110 = tpu.vector_load %arg10[%get3A_109] {strides = array<i32>} : memref<512xi32, #tpu.memory_space<vmem>>, vector<16xi32>,
    %swap3A_111 = arith.constant 1 : i32
    %swap3A_112 = arith.index_cast %swap3A_111 : i32 to index
    %swap3A_113 = arith.constant 16 : index
    %swap3A_114 = tpu.vector_load %arg12[%swap3A_112, %swap3A_113] {strides = array<i32>} : memref<4x128xi32, #tpu.memory_space<vmem>>, vector<16xi32>,
    tpu.vector_store %arg12[%swap3A_112, %swap3A_113], %get3A_110 {strides = array<i32>} : memref<4x128xi32, #tpu.memory_space<vmem>>, vector<16xi32>,
    %get3A_115 = arith.constant 144 : index
    %get3A_116 = tpu.vector_load %arg11[%get3A_115] {strides = array<i32>} : memref<512xi32, #tpu.memory_space<vmem>>, vector<16xi32>,
    %swap3A_117 = arith.constant 1 : i32
    %swap3A_118 = arith.index_cast %swap3A_117 : i32 to index
    %swap3A_119 = arith.constant 16 : index
    %swap3A_120 = tpu.vector_load %arg13[%swap3A_118, %swap3A_119] {strides = array<i32>} : memref<4x128xi32, #tpu.memory_space<vmem>>, vector<16xi32>,
    tpu.vector_store %arg13[%swap3A_118, %swap3A_119], %get3A_116 {strides = array<i32>} : memref<4x128xi32, #tpu.memory_space<vmem>>, vector<16xi32>,
    %get3A_121 = arith.constant 160 : index
    %get3A_122 = tpu.vector_load %arg10[%get3A_121] {strides = array<i32>} : memref<512xi32, #tpu.memory_space<vmem>>, vector<16xi32>,
    %swap3A_123 = arith.constant 1 : i32
    %swap3A_124 = arith.index_cast %swap3A_123 : i32 to index
    %swap3A_125 = arith.constant 32 : index
    %swap3A_126 = tpu.vector_load %arg12[%swap3A_124, %swap3A_125] {strides = array<i32>} : memref<4x128xi32, #tpu.memory_space<vmem>>, vector<16xi32>,
    tpu.vector_store %arg12[%swap3A_124, %swap3A_125], %get3A_122 {strides = array<i32>} : memref<4x128xi32, #tpu.memory_space<vmem>>, vector<16xi32>,
    %get3A_127 = arith.constant 160 : index
    %get3A_128 = tpu.vector_load %arg11[%get3A_127] {strides = array<i32>} : memref<512xi32, #tpu.memory_space<vmem>>, vector<16xi32>,
    %swap3A_129 = arith.constant 1 : i32
    %swap3A_130 = arith.index_cast %swap3A_129 : i32 to index
    %swap3A_131 = arith.constant 32 : index
    %swap3A_132 = tpu.vector_load %arg13[%swap3A_130, %swap3A_131] {strides = array<i32>} : memref<4x128xi32, #tpu.memory_space<vmem>>, vector<16xi32>,
    tpu.vector_store %arg13[%swap3A_130, %swap3A_131], %get3A_128 {strides = array<i32>} : memref<4x128xi32, #tpu.memory_space<vmem>>, vector<16xi32>,
    %get3A_133 = arith.constant 176 : index
    %get3A_134 = tpu.vector_load %arg10[%get3A_133] {strides = array<i32>} : memref<512xi32, #tpu.memory_space<vmem>>, vector<16xi32>,
    %swap3A_135 = arith.constant 1 : i32
    %swap3A_136 = arith.index_cast %swap3A_135 : i32 to index
    %swap3A_137 = arith.constant 48 : index
    %swap3A_138 = tpu.vector_load %arg12[%swap3A_136, %swap3A_137] {strides = array<i32>} : memref<4x128xi32, #tpu.memory_space<vmem>>, vector<16xi32>,
    tpu.vector_store %arg12[%swap3A_136, %swap3A_137], %get3A_134 {strides = array<i32>} : memref<4x128xi32, #tpu.memory_space<vmem>>, vector<16xi32>,
    %get3A_139 = arith.constant 176 : index
    %get3A_140 = tpu.vector_load %arg11[%get3A_139] {strides = array<i32>} : memref<512xi32, #tpu.memory_space<vmem>>, vector<16xi32>,
    %swap3A_141 = arith.constant 1 : i32
    %swap3A_142 = arith.index_cast %swap3A_141 : i32 to index
    %swap3A_143 = arith.constant 48 : index
    %swap3A_144 = tpu.vector_load %arg13[%swap3A_142, %swap3A_143] {strides = array<i32>} : memref<4x128xi32, #tpu.memory_space<vmem>>, vector<16xi32>,
    tpu.vector_store %arg13[%swap3A_142, %swap3A_143], %get3A_140 {strides = array<i32>} : memref<4x128xi32, #tpu.memory_space<vmem>>, vector<16xi32>,
    %get3A_145 = arith.constant 192 : index
    %get3A_146 = tpu.vector_load %arg10[%get3A_145] {strides = array<i32>} : memref<512xi32, #tpu.memory_space<vmem>>, vector<16xi32>,
    %swap3A_147 = arith.constant 1 : i32
    %swap3A_148 = arith.index_cast %swap3A_147 : i32 to index
    %swap3A_149 = arith.constant 64 : index
    %swap3A_150 = tpu.vector_load %arg12[%swap3A_148, %swap3A_149] {strides = array<i32>} : memref<4x128xi32, #tpu.memory_space<vmem>>, vector<16xi32>,
    tpu.vector_store %arg12[%swap3A_148, %swap3A_149], %get3A_146 {strides = array<i32>} : memref<4x128xi32, #tpu.memory_space<vmem>>, vector<16xi32>,
    %get3A_151 = arith.constant 192 : index
    %get3A_152 = tpu.vector_load %arg11[%get3A_151] {strides = array<i32>} : memref<512xi32, #tpu.memory_space<vmem>>, vector<16xi32>,
    %swap3A_153 = arith.constant 1 : i32
    %swap3A_154 = arith.index_cast %swap3A_153 : i32 to index
    %swap3A_155 = arith.constant 64 : index
    %swap3A_156 = tpu.vector_load %arg13[%swap3A_154, %swap3A_155] {strides = array<i32>} : memref<4x128xi32, #tpu.memory_space<vmem>>, vector<16xi32>,
    tpu.vector_store %arg13[%swap3A_154, %swap3A_155], %get3A_152 {strides = array<i32>} : memref<4x128xi32, #tpu.memory_space<vmem>>, vector<16xi32>,
    %get3A_157 = arith.constant 208 : index
    %get3A_158 = tpu.vector_load %arg10[%get3A_157] {strides = array<i32>} : memref<512xi32, #tpu.memory_space<vmem>>, vector<16xi32>,
    %swap3A_159 = arith.constant 1 : i32
    %swap3A_160 = arith.index_cast %swap3A_159 : i32 to index
    %swap3A_161 = arith.constant 80 : index
    %swap3A_162 = tpu.vector_load %arg12[%swap3A_160, %swap3A_161] {strides = array<i32>} : memref<4x128xi32, #tpu.memory_space<vmem>>, vector<16xi32>,
    tpu.vector_store %arg12[%swap3A_160, %swap3A_161], %get3A_158 {strides = array<i32>} : memref<4x128xi32, #tpu.memory_space<vmem>>, vector<16xi32>,
    %get3A_163 = arith.constant 208 : index
    %get3A_164 = tpu.vector_load %arg11[%get3A_163] {strides = array<i32>} : memref<512xi32, #tpu.memory_space<vmem>>, vector<16xi32>,
    %swap3A_165 = arith.constant 1 : i32
    %swap3A_166 = arith.index_cast %swap3A_165 : i32 to index
    %swap3A_167 = arith.constant 80 : index
    %swap3A_168 = tpu.vector_load %arg13[%swap3A_166, %swap3A_167] {strides = array<i32>} : memref<4x128xi32, #tpu.memory_space<vmem>>, vector<16xi32>,
    tpu.vector_store %arg13[%swap3A_166, %swap3A_167], %get3A_164 {strides = array<i32>} : memref<4x128xi32, #tpu.memory_space<vmem>>, vector<16xi32>,
    %get3A_169 = arith.constant 224 : index
    %get3A_170 = tpu.vector_load %arg10[%get3A_169] {strides = array<i32>} : memref<512xi32, #tpu.memory_space<vmem>>, vector<16xi32>,
    %swap3A_171 = arith.constant 1 : i32
    %swap3A_172 = arith.index_cast %swap3A_171 : i32 to index
    %swap3A_173 = arith.constant 96 : index
    %swap3A_174 = tpu.vector_load %arg12[%swap3A_172, %swap3A_173] {strides = array<i32>} : memref<4x128xi32, #tpu.memory_space<vmem>>, vector<16xi32>,
    tpu.vector_store %arg12[%swap3A_172, %swap3A_173], %get3A_170 {strides = array<i32>} : memref<4x128xi32, #tpu.memory_space<vmem>>, vector<16xi32>,
    %get3A_175 = arith.constant 224 : index
    %get3A_176 = tpu.vector_load %arg11[%get3A_175] {strides = array<i32>} : memref<512xi32, #tpu.memory_space<vmem>>, vector<16xi32>,
    %swap3A_177 = arith.constant 1 : i32
    %swap3A_178 = arith.index_cast %swap3A_177 : i32 to index
    %swap3A_179 = arith.constant 96 : index
    %swap3A_180 = tpu.vector_load %arg13[%swap3A_178, %swap3A_179] {strides = array<i32>} : memref<4x128xi32, #tpu.memory_space<vmem>>, vector<16xi32>,
    tpu.vector_store %arg13[%swap3A_178, %swap3A_179], %get3A_176 {strides = array<i32>} : memref<4x128xi32, #tpu.memory_space<vmem>>, vector<16xi32>,
    %get3A_181 = arith.constant 240 : index
    %get3A_182 = tpu.vector_load %arg10[%get3A_181] {strides = array<i32>} : memref<512xi32, #tpu.memory_space<vmem>>, vector<16xi32>,
    %swap3A_183 = arith.constant 1 : i32
    %swap3A_184 = arith.index_cast %swap3A_183 : i32 to index
    %swap3A_185 = arith.constant 112 : index
    %swap3A_186 = tpu.vector_load %arg12[%swap3A_184, %swap3A_185] {strides = array<i32>} : memref<4x128xi32, #tpu.memory_space<vmem>>, vector<16xi32>,
    tpu.vector_store %arg12[%swap3A_184, %swap3A_185], %get3A_182 {strides = array<i32>} : memref<4x128xi32, #tpu.memory_space<vmem>>, vector<16xi32>,
    %get3A_187 = arith.constant 240 : index
    %get3A_188 = tpu.vector_load %arg11[%get3A_187] {strides = array<i32>} : memref<512xi32, #tpu.memory_space<vmem>>, vector<16xi32>,
    %swap3A_189 = arith.constant 1 : i32
    %swap3A_190 = arith.index_cast %swap3A_189 : i32 to index
    %swap3A_191 = arith.constant 112 : index
    %swap3A_192 = tpu.vector_load %arg13[%swap3A_190, %swap3A_191] {strides = array<i32>} : memref<4x128xi32, #tpu.memory_space<vmem>>, vector<16xi32>,
    tpu.vector_store %arg13[%swap3A_190, %swap3A_191], %get3A_188 {strides = array<i32>} : memref<4x128xi32, #tpu.memory_space<vmem>>, vector<16xi32>,
    %get3A_193 = arith.constant 256 : index
    %get3A_194 = tpu.vector_load %arg10[%get3A_193] {strides = array<i32>} : memref<512xi32, #tpu.memory_space<vmem>>, vector<16xi32>,
    %swap3A_195 = arith.constant 2 : i32
    %swap3A_196 = arith.index_cast %swap3A_195 : i32 to index
    %swap3A_197 = arith.constant 0 : index
    %swap3A_198 = tpu.vector_load %arg12[%swap3A_196, %swap3A_197] {strides = array<i32>} : memref<4x128xi32, #tpu.memory_space<vmem>>, vector<16xi32>,
    tpu.vector_store %arg12[%swap3A_196, %swap3A_197], %get3A_194 {strides = array<i32>} : memref<4x128xi32, #tpu.memory_space<vmem>>, vector<16xi32>,
    %get3A_199 = arith.constant 256 : index
    %get3A_200 = tpu.vector_load %arg11[%get3A_199] {strides = array<i32>} : memref<512xi32, #tpu.memory_space<vmem>>, vector<16xi32>,
    %swap3A_201 = arith.constant 2 : i32
    %swap3A_202 = arith.index_cast %swap3A_201 : i32 to index
    %swap3A_203 = arith.constant 0 : index
    %swap3A_204 = tpu.vector_load %arg13[%swap3A_202, %swap3A_203] {strides = array<i32>} : memref<4x128xi32, #tpu.memory_space<vmem>>, vector<16xi32>,
    tpu.vector_store %arg13[%swap3A_202, %swap3A_203], %get3A_200 {strides = array<i32>} : memref<4x128xi32, #tpu.memory_space<vmem>>, vector<16xi32>,
    %get3A_205 = arith.constant 272 : index
    %get3A_206 = tpu.vector_load %arg10[%get3A_205] {strides = array<i32>} : memref<512xi32, #tpu.memory_space<vmem>>, vector<16xi32>,
    %swap3A_207 = arith.constant 2 : i32
    %swap3A_208 = arith.index_cast %swap3A_207 : i32 to index
    %swap3A_209 = arith.constant 16 : index
    %swap3A_210 = tpu.vector_load %arg12[%swap3A_208, %swap3A_209] {strides = array<i32>} : memref<4x128xi32, #tpu.memory_space<vmem>>, vector<16xi32>,
    tpu.vector_store %arg12[%swap3A_208, %swap3A_209], %get3A_206 {strides = array<i32>} : memref<4x128xi32, #tpu.memory_space<vmem>>, vector<16xi32>,
    %get3A_211 = arith.constant 272 : index
    %get3A_212 = tpu.vector_load %arg11[%get3A_211] {strides = array<i32>} : memref<512xi32, #tpu.memory_space<vmem>>, vector<16xi32>,
    %swap3A_213 = arith.constant 2 : i32
    %swap3A_214 = arith.index_cast %swap3A_213 : i32 to index
    %swap3A_215 = arith.constant 16 : index
    %swap3A_216 = tpu.vector_load %arg13[%swap3A_214, %swap3A_215] {strides = array<i32>} : memref<4x128xi32, #tpu.memory_space<vmem>>, vector<16xi32>,
    tpu.vector_store %arg13[%swap3A_214, %swap3A_215], %get3A_212 {strides = array<i32>} : memref<4x128xi32, #tpu.memory_space<vmem>>, vector<16xi32>,
    %get3A_217 = arith.constant 288 : index
    %get3A_218 = tpu.vector_load %arg10[%get3A_217] {strides = array<i32>} : memref<512xi32, #tpu.memory_space<vmem>>, vector<16xi32>,
    %swap3A_219 = arith.constant 2 : i32
    %swap3A_220 = arith.index_cast %swap3A_219 : i32 to index
    %swap3A_221 = arith.constant 32 : index
    %swap3A_222 = tpu.vector_load %arg12[%swap3A_220, %swap3A_221] {strides = array<i32>} : memref<4x128xi32, #tpu.memory_space<vmem>>, vector<16xi32>,
    tpu.vector_store %arg12[%swap3A_220, %swap3A_221], %get3A_218 {strides = array<i32>} : memref<4x128xi32, #tpu.memory_space<vmem>>, vector<16xi32>,
    %get3A_223 = arith.constant 288 : index
    %get3A_224 = tpu.vector_load %arg11[%get3A_223] {strides = array<i32>} : memref<512xi32, #tpu.memory_space<vmem>>, vector<16xi32>,
    %swap3A_225 = arith.constant 2 : i32
    %swap3A_226 = arith.index_cast %swap3A_225 : i32 to index
    %swap3A_227 = arith.constant 32 : index
    %swap3A_228 = tpu.vector_load %arg13[%swap3A_226, %swap3A_227] {strides = array<i32>} : memref<4x128xi32, #tpu.memory_space<vmem>>, vector<16xi32>,
    tpu.vector_store %arg13[%swap3A_226, %swap3A_227], %get3A_224 {strides = array<i32>} : memref<4x128xi32, #tpu.memory_space<vmem>>, vector<16xi32>,
    %get3A_229 = arith.constant 304 : index
    %get3A_230 = tpu.vector_load %arg10[%get3A_229] {strides = array<i32>} : memref<512xi32, #tpu.memory_space<vmem>>, vector<16xi32>,
    %swap3A_231 = arith.constant 2 : i32
    %swap3A_232 = arith.index_cast %swap3A_231 : i32 to index
    %swap3A_233 = arith.constant 48 : index
    %swap3A_234 = tpu.vector_load %arg12[%swap3A_232, %swap3A_233] {strides = array<i32>} : memref<4x128xi32, #tpu.memory_space<vmem>>, vector<16xi32>,
    tpu.vector_store %arg12[%swap3A_232, %swap3A_233], %get3A_230 {strides = array<i32>} : memref<4x128xi32, #tpu.memory_space<vmem>>, vector<16xi32>,
    %get3A_235 = arith.constant 304 : index
    %get3A_236 = tpu.vector_load %arg11[%get3A_235] {strides = array<i32>} : memref<512xi32, #tpu.memory_space<vmem>>, vector<16xi32>,
    %swap3A_237 = arith.constant 2 : i32
    %swap3A_238 = arith.index_cast %swap3A_237 : i32 to index
    %swap3A_239 = arith.constant 48 : index
    %swap3A_240 = tpu.vector_load %arg13[%swap3A_238, %swap3A_239] {strides = array<i32>} : memref<4x128xi32, #tpu.memory_space<vmem>>, vector<16xi32>,
    tpu.vector_store %arg13[%swap3A_238, %swap3A_239], %get3A_236 {strides = array<i32>} : memref<4x128xi32, #tpu.memory_space<vmem>>, vector<16xi32>,
    %get3A_241 = arith.constant 320 : index
    %get3A_242 = tpu.vector_load %arg10[%get3A_241] {strides = array<i32>} : memref<512xi32, #tpu.memory_space<vmem>>, vector<16xi32>,
    %swap3A_243 = arith.constant 2 : i32
    %swap3A_244 = arith.index_cast %swap3A_243 : i32 to index
    %swap3A_245 = arith.constant 64 : index
    %swap3A_246 = tpu.vector_load %arg12[%swap3A_244, %swap3A_245] {strides = array<i32>} : memref<4x128xi32, #tpu.memory_space<vmem>>, vector<16xi32>,
    tpu.vector_store %arg12[%swap3A_244, %swap3A_245], %get3A_242 {strides = array<i32>} : memref<4x128xi32, #tpu.memory_space<vmem>>, vector<16xi32>,
    %get3A_247 = arith.constant 320 : index
    %get3A_248 = tpu.vector_load %arg11[%get3A_247] {strides = array<i32>} : memref<512xi32, #tpu.memory_space<vmem>>, vector<16xi32>,
    %swap3A_249 = arith.constant 2 : i32
    %swap3A_250 = arith.index_cast %swap3A_249 : i32 to index
    %swap3A_251 = arith.constant 64 : index
    %swap3A_252 = tpu.vector_load %arg13[%swap3A_250, %swap3A_251] {strides = array<i32>} : memref<4x128xi32, #tpu.memory_space<vmem>>, vector<16xi32>,
    tpu.vector_store %arg13[%swap3A_250, %swap3A_251], %get3A_248 {strides = array<i32>} : memref<4x128xi32, #tpu.memory_space<vmem>>, vector<16xi32>,
    %get3A_253 = arith.constant 336 : index
    %get3A_254 = tpu.vector_load %arg10[%get3A_253] {strides = array<i32>} : memref<512xi32, #tpu.memory_space<vmem>>, vector<16xi32>,
    %swap3A_255 = arith.constant 2 : i32
    %swap3A_256 = arith.index_cast %swap3A_255 : i32 to index
    %swap3A_257 = arith.constant 80 : index
    %swap3A_258 = tpu.vector_load %arg12[%swap3A_256, %swap3A_257] {strides = array<i32>} : memref<4x128xi32, #tpu.memory_space<vmem>>, vector<16xi32>,
    tpu.vector_store %arg12[%swap3A_256, %swap3A_257], %get3A_254 {strides = array<i32>} : memref<4x128xi32, #tpu.memory_space<vmem>>, vector<16xi32>,
    %get3A_259 = arith.constant 336 : index
    %get3A_260 = tpu.vector_load %arg11[%get3A_259] {strides = array<i32>} : memref<512xi32, #tpu.memory_space<vmem>>, vector<16xi32>,
    %swap3A_261 = arith.constant 2 : i32
    %swap3A_262 = arith.index_cast %swap3A_261 : i32 to index
    %swap3A_263 = arith.constant 80 : index
    %swap3A_264 = tpu.vector_load %arg13[%swap3A_262, %swap3A_263] {strides = array<i32>} : memref<4x128xi32, #tpu.memory_space<vmem>>, vector<16xi32>,
    tpu.vector_store %arg13[%swap3A_262, %swap3A_263], %get3A_260 {strides = array<i32>} : memref<4x128xi32, #tpu.memory_space<vmem>>, vector<16xi32>,
    %get3A_265 = arith.constant 352 : index
    %get3A_266 = tpu.vector_load %arg10[%get3A_265] {strides = array<i32>} : memref<512xi32, #tpu.memory_space<vmem>>, vector<16xi32>,
    %swap3A_267 = arith.constant 2 : i32
    %swap3A_268 = arith.index_cast %swap3A_267 : i32 to index
    %swap3A_269 = arith.constant 96 : index
    %swap3A_270 = tpu.vector_load %arg12[%swap3A_268, %swap3A_269] {strides = array<i32>} : memref<4x128xi32, #tpu.memory_space<vmem>>, vector<16xi32>,
    tpu.vector_store %arg12[%swap3A_268, %swap3A_269], %get3A_266 {strides = array<i32>} : memref<4x128xi32, #tpu.memory_space<vmem>>, vector<16xi32>,
    %get3A_271 = arith.constant 352 : index
    %get3A_272 = tpu.vector_load %arg11[%get3A_271] {strides = array<i32>} : memref<512xi32, #tpu.memory_space<vmem>>, vector<16xi32>,
    %swap3A_273 = arith.constant 2 : i32
    %swap3A_274 = arith.index_cast %swap3A_273 : i32 to index
    %swap3A_275 = arith.constant 96 : index
    %swap3A_276 = tpu.vector_load %arg13[%swap3A_274, %swap3A_275] {strides = array<i32>} : memref<4x128xi32, #tpu.memory_space<vmem>>, vector<16xi32>,
    tpu.vector_store %arg13[%swap3A_274, %swap3A_275], %get3A_272 {strides = array<i32>} : memref<4x128xi32, #tpu.memory_space<vmem>>, vector<16xi32>,
    %get3A_277 = arith.constant 368 : index
    %get3A_278 = tpu.vector_load %arg10[%get3A_277] {strides = array<i32>} : memref<512xi32, #tpu.memory_space<vmem>>, vector<16xi32>,
    %swap3A_279 = arith.constant 2 : i32
    %swap3A_280 = arith.index_cast %swap3A_279 : i32 to index
    %swap3A_281 = arith.constant 112 : index
    %swap3A_282 = tpu.vector_load %arg12[%swap3A_280, %swap3A_281] {strides = array<i32>} : memref<4x128xi32, #tpu.memory_space<vmem>>, vector<16xi32>,
    tpu.vector_store %arg12[%swap3A_280, %swap3A_281], %get3A_278 {strides = array<i32>} : memref<4x128xi32, #tpu.memory_space<vmem>>, vector<16xi32>,
    %get3A_283 = arith.constant 368 : index
    %get3A_284 = tpu.vector_load %arg11[%get3A_283] {strides = array<i32>} : memref<512xi32, #tpu.memory_space<vmem>>, vector<16xi32>,
    %swap3A_285 = arith.constant 2 : i32
    %swap3A_286 = arith.index_cast %swap3A_285 : i32 to index
    %swap3A_287 = arith.constant 112 : index
    %swap3A_288 = tpu.vector_load %arg13[%swap3A_286, %swap3A_287] {strides = array<i32>} : memref<4x128xi32, #tpu.memory_space<vmem>>, vector<16xi32>,
    tpu.vector_store %arg13[%swap3A_286, %swap3A_287], %get3A_284 {strides = array<i32>} : memref<4x128xi32, #tpu.memory_space<vmem>>, vector<16xi32>,
    %get3A_289 = arith.constant 384 : index
    %get3A_290 = tpu.vector_load %arg10[%get3A_289] {strides = array<i32>} : memref<512xi32, #tpu.memory_space<vmem>>, vector<16xi32>,
    %swap3A_291 = arith.constant 3 : i32
    %swap3A_292 = arith.index_cast %swap3A_291 : i32 to index
    %swap3A_293 = arith.constant 0 : index
    %swap3A_294 = tpu.vector_load %arg12[%swap3A_292, %swap3A_293] {strides = array<i32>} : memref<4x128xi32, #tpu.memory_space<vmem>>, vector<16xi32>,
    tpu.vector_store %arg12[%swap3A_292, %swap3A_293], %get3A_290 {strides = array<i32>} : memref<4x128xi32, #tpu.memory_space<vmem>>, vector<16xi32>,
    %get3A_295 = arith.constant 384 : index
    %get3A_296 = tpu.vector_load %arg11[%get3A_295] {strides = array<i32>} : memref<512xi32, #tpu.memory_space<vmem>>, vector<16xi32>,
    %swap3A_297 = arith.constant 3 : i32
    %swap3A_298 = arith.index_cast %swap3A_297 : i32 to index
    %swap3A_299 = arith.constant 0 : index
    %swap3A_300 = tpu.vector_load %arg13[%swap3A_298, %swap3A_299] {strides = array<i32>} : memref<4x128xi32, #tpu.memory_space<vmem>>, vector<16xi32>,
    tpu.vector_store %arg13[%swap3A_298, %swap3A_299], %get3A_296 {strides = array<i32>} : memref<4x128xi32, #tpu.memory_space<vmem>>, vector<16xi32>,
    %get3A_301 = arith.constant 400 : index
    %get3A_302 = tpu.vector_load %arg10[%get3A_301] {strides = array<i32>} : memref<512xi32, #tpu.memory_space<vmem>>, vector<16xi32>,
    %swap3A_303 = arith.constant 3 : i32
    %swap3A_304 = arith.index_cast %swap3A_303 : i32 to index
    %swap3A_305 = arith.constant 16 : index
    %swap3A_306 = tpu.vector_load %arg12[%swap3A_304, %swap3A_305] {strides = array<i32>} : memref<4x128xi32, #tpu.memory_space<vmem>>, vector<16xi32>,
    tpu.vector_store %arg12[%swap3A_304, %swap3A_305], %get3A_302 {strides = array<i32>} : memref<4x128xi32, #tpu.memory_space<vmem>>, vector<16xi32>,
    %get3A_307 = arith.constant 400 : index
    %get3A_308 = tpu.vector_load %arg11[%get3A_307] {strides = array<i32>} : memref<512xi32, #tpu.memory_space<vmem>>, vector<16xi32>,
    %swap3A_309 = arith.constant 3 : i32
    %swap3A_310 = arith.index_cast %swap3A_309 : i32 to index
    %swap3A_311 = arith.constant 16 : index
    %swap3A_312 = tpu.vector_load %arg13[%swap3A_310, %swap3A_311] {strides = array<i32>} : memref<4x128xi32, #tpu.memory_space<vmem>>, vector<16xi32>,
    tpu.vector_store %arg13[%swap3A_310, %swap3A_311], %get3A_308 {strides = array<i32>} : memref<4x128xi32, #tpu.memory_space<vmem>>, vector<16xi32>,
    %get3A_313 = arith.constant 416 : index
    %get3A_314 = tpu.vector_load %arg10[%get3A_313] {strides = array<i32>} : memref<512xi32, #tpu.memory_space<vmem>>, vector<16xi32>,
    %swap3A_315 = arith.constant 3 : i32
    %swap3A_316 = arith.index_cast %swap3A_315 : i32 to index
    %swap3A_317 = arith.constant 32 : index
    %swap3A_318 = tpu.vector_load %arg12[%swap3A_316, %swap3A_317] {strides = array<i32>} : memref<4x128xi32, #tpu.memory_space<vmem>>, vector<16xi32>,
    tpu.vector_store %arg12[%swap3A_316, %swap3A_317], %get3A_314 {strides = array<i32>} : memref<4x128xi32, #tpu.memory_space<vmem>>, vector<16xi32>,
    %get3A_319 = arith.constant 416 : index
    %get3A_320 = tpu.vector_load %arg11[%get3A_319] {strides = array<i32>} : memref<512xi32, #tpu.memory_space<vmem>>, vector<16xi32>,
    %swap3A_321 = arith.constant 3 : i32
    %swap3A_322 = arith.index_cast %swap3A_321 : i32 to index
    %swap3A_323 = arith.constant 32 : index
    %swap3A_324 = tpu.vector_load %arg13[%swap3A_322, %swap3A_323] {strides = array<i32>} : memref<4x128xi32, #tpu.memory_space<vmem>>, vector<16xi32>,
    tpu.vector_store %arg13[%swap3A_322, %swap3A_323], %get3A_320 {strides = array<i32>} : memref<4x128xi32, #tpu.memory_space<vmem>>, vector<16xi32>,
    %get3A_325 = arith.constant 432 : index
    %get3A_326 = tpu.vector_load %arg10[%get3A_325] {strides = array<i32>} : memref<512xi32, #tpu.memory_space<vmem>>, vector<16xi32>,
    %swap3A_327 = arith.constant 3 : i32
    %swap3A_328 = arith.index_cast %swap3A_327 : i32 to index
    %swap3A_329 = arith.constant 48 : index
    %swap3A_330 = tpu.vector_load %arg12[%swap3A_328, %swap3A_329] {strides = array<i32>} : memref<4x128xi32, #tpu.memory_space<vmem>>, vector<16xi32>,
    tpu.vector_store %arg12[%swap3A_328, %swap3A_329], %get3A_326 {strides = array<i32>} : memref<4x128xi32, #tpu.memory_space<vmem>>, vector<16xi32>,
    %get3A_331 = arith.constant 432 : index
    %get3A_332 = tpu.vector_load %arg11[%get3A_331] {strides = array<i32>} : memref<512xi32, #tpu.memory_space<vmem>>, vector<16xi32>,
    %swap3A_333 = arith.constant 3 : i32
    %swap3A_334 = arith.index_cast %swap3A_333 : i32 to index
    %swap3A_335 = arith.constant 48 : index
    %swap3A_336 = tpu.vector_load %arg13[%swap3A_334, %swap3A_335] {strides = array<i32>} : memref<4x128xi32, #tpu.memory_space<vmem>>, vector<16xi32>,
    tpu.vector_store %arg13[%swap3A_334, %swap3A_335], %get3A_332 {strides = array<i32>} : memref<4x128xi32, #tpu.memory_space<vmem>>, vector<16xi32>,
    %get3A_337 = arith.constant 448 : index
    %get3A_338 = tpu.vector_load %arg10[%get3A_337] {strides = array<i32>} : memref<512xi32, #tpu.memory_space<vmem>>, vector<16xi32>,
    %swap3A_339 = arith.constant 3 : i32
    %swap3A_340 = arith.index_cast %swap3A_339 : i32 to index
    %swap3A_341 = arith.constant 64 : index
    %swap3A_342 = tpu.vector_load %arg12[%swap3A_340, %swap3A_341] {strides = array<i32>} : memref<4x128xi32, #tpu.memory_space<vmem>>, vector<16xi32>,
    tpu.vector_store %arg12[%swap3A_340, %swap3A_341], %get3A_338 {strides = array<i32>} : memref<4x128xi32, #tpu.memory_space<vmem>>, vector<16xi32>,
    %get3A_343 = arith.constant 448 : index
    %get3A_344 = tpu.vector_load %arg11[%get3A_343] {strides = array<i32>} : memref<512xi32, #tpu.memory_space<vmem>>, vector<16xi32>,
    %swap3A_345 = arith.constant 3 : i32
    %swap3A_346 = arith.index_cast %swap3A_345 : i32 to index
    %swap3A_347 = arith.constant 64 : index
    %swap3A_348 = tpu.vector_load %arg13[%swap3A_346, %swap3A_347] {strides = array<i32>} : memref<4x128xi32, #tpu.memory_space<vmem>>, vector<16xi32>,
    tpu.vector_store %arg13[%swap3A_346, %swap3A_347], %get3A_344 {strides = array<i32>} : memref<4x128xi32, #tpu.memory_space<vmem>>, vector<16xi32>,
    %get3A_349 = arith.constant 464 : index
    %get3A_350 = tpu.vector_load %arg10[%get3A_349] {strides = array<i32>} : memref<512xi32, #tpu.memory_space<vmem>>, vector<16xi32>,
    %swap3A_351 = arith.constant 3 : i32
    %swap3A_352 = arith.index_cast %swap3A_351 : i32 to index
    %swap3A_353 = arith.constant 80 : index
    %swap3A_354 = tpu.vector_load %arg12[%swap3A_352, %swap3A_353] {strides = array<i32>} : memref<4x128xi32, #tpu.memory_space<vmem>>, vector<16xi32>,
    tpu.vector_store %arg12[%swap3A_352, %swap3A_353], %get3A_350 {strides = array<i32>} : memref<4x128xi32, #tpu.memory_space<vmem>>, vector<16xi32>,
    %get3A_355 = arith.constant 464 : index
    %get3A_356 = tpu.vector_load %arg11[%get3A_355] {strides = array<i32>} : memref<512xi32, #tpu.memory_space<vmem>>, vector<16xi32>,
    %swap3A_357 = arith.constant 3 : i32
    %swap3A_358 = arith.index_cast %swap3A_357 : i32 to index
    %swap3A_359 = arith.constant 80 : index
    %swap3A_360 = tpu.vector_load %arg13[%swap3A_358, %swap3A_359] {strides = array<i32>} : memref<4x128xi32, #tpu.memory_space<vmem>>, vector<16xi32>,
    tpu.vector_store %arg13[%swap3A_358, %swap3A_359], %get3A_356 {strides = array<i32>} : memref<4x128xi32, #tpu.memory_space<vmem>>, vector<16xi32>,
    %get3A_361 = arith.constant 480 : index
    %get3A_362 = tpu.vector_load %arg10[%get3A_361] {strides = array<i32>} : memref<512xi32, #tpu.memory_space<vmem>>, vector<16xi32>,
    %swap3A_363 = arith.constant 3 : i32
    %swap3A_364 = arith.index_cast %swap3A_363 : i32 to index
    %swap3A_365 = arith.constant 96 : index
    %swap3A_366 = tpu.vector_load %arg12[%swap3A_364, %swap3A_365] {strides = array<i32>} : memref<4x128xi32, #tpu.memory_space<vmem>>, vector<16xi32>,
    tpu.vector_store %arg12[%swap3A_364, %swap3A_365], %get3A_362 {strides = array<i32>} : memref<4x128xi32, #tpu.memory_space<vmem>>, vector<16xi32>,
    %get3A_367 = arith.constant 480 : index
    %get3A_368 = tpu.vector_load %arg11[%get3A_367] {strides = array<i32>} : memref<512xi32, #tpu.memory_space<vmem>>, vector<16xi32>,
    %swap3A_369 = arith.constant 3 : i32
    %swap3A_370 = arith.index_cast %swap3A_369 : i32 to index
    %swap3A_371 = arith.constant 96 : index
    %swap3A_372 = tpu.vector_load %arg13[%swap3A_370, %swap3A_371] {strides = array<i32>} : memref<4x128xi32, #tpu.memory_space<vmem>>, vector<16xi32>,
    tpu.vector_store %arg13[%swap3A_370, %swap3A_371], %get3A_368 {strides = array<i32>} : memref<4x128xi32, #tpu.memory_space<vmem>>, vector<16xi32>,
    %get3A_373 = arith.constant 496 : index
    %get3A_374 = tpu.vector_load %arg10[%get3A_373] {strides = array<i32>} : memref<512xi32, #tpu.memory_space<vmem>>, vector<16xi32>,
    %swap3A_375 = arith.constant 3 : i32
    %swap3A_376 = arith.index_cast %swap3A_375 : i32 to index
    %swap3A_377 = arith.constant 112 : index
    %swap3A_378 = tpu.vector_load %arg12[%swap3A_376, %swap3A_377] {strides = array<i32>} : memref<4x128xi32, #tpu.memory_space<vmem>>, vector<16xi32>,
    tpu.vector_store %arg12[%swap3A_376, %swap3A_377], %get3A_374 {strides = array<i32>} : memref<4x128xi32, #tpu.memory_space<vmem>>, vector<16xi32>,
    %get3A_379 = arith.constant 496 : index
    %get3A_380 = tpu.vector_load %arg11[%get3A_379] {strides = array<i32>} : memref<512xi32, #tpu.memory_space<vmem>>, vector<16xi32>,
    %swap3A_381 = arith.constant 3 : i32
    %swap3A_382 = arith.index_cast %swap3A_381 : i32 to index
    %swap3A_383 = arith.constant 112 : index
    %swap3A_384 = tpu.vector_load %arg13[%swap3A_382, %swap3A_383] {strides = array<i32>} : memref<4x128xi32, #tpu.memory_space<vmem>>, vector<16xi32>,
    tpu.vector_store %arg13[%swap3A_382, %swap3A_383], %get3A_380 {strides = array<i32>} : memref<4x128xi32, #tpu.memory_space<vmem>>, vector<16xi32>,
    %dma_start3A = arith.constant 0 : i32
    %dma_start3A_385 = arith.constant 0 : i32
    %dma_start3A_386 = tpu.memref_slice %arg14[%dma_start3A_385] : memref<512xf32, #tpu.memory_space<vmem>> -> memref<128xf32, #tpu.memory_space<vmem>>
    %dma_start3A_387 = arith.constant 0 : i32
    %dma_start3A_388 = tpu.memref_slice %arg12[%dma_start3A, %dma_start3A_387] : memref<4x128xi32, #tpu.memory_space<vmem>> -> memref<1x128xi32, #tpu.memory_space<vmem>>
    %dma_start3A_389 = tpu.memref_squeeze %dma_start3A_388 : memref<1x128xi32, #tpu.memory_space<vmem>> -> memref<128xi32, #tpu.memory_space<vmem>>
    %dma_start3A_390 = arith.constant 0 : i32
    %dma_start3A_391 = tpu.memref_slice %arg4[%dma_start3A_390] : memref<1000448xf32, #tpu.memory_space<hbm>> -> memref<1000448xf32, #tpu.memory_space<hbm>>
    tpu.enqueue_indirect_dma source(%dma_start3A_391 : memref<1000448xf32, #tpu.memory_space<hbm>>) target(%dma_start3A_386 : memref<128xf32, #tpu.memory_space<vmem>>) offsets(%dma_start3A_389 : memref<128xi32, #tpu.memory_space<vmem>>) semaphore(%arg20 : memref<!tpu.dma_semaphore, #tpu.memory_space<semaphore_mem>>)
    %dma_start3A_392 = arith.constant 0 : i32
    %dma_start3A_393 = arith.constant 0 : i32
    %dma_start3A_394 = tpu.memref_slice %arg15[%dma_start3A_393] : memref<512xf32, #tpu.memory_space<vmem>> -> memref<128xf32, #tpu.memory_space<vmem>>
    %dma_start3A_395 = arith.constant 0 : i32
    %dma_start3A_396 = tpu.memref_slice %arg13[%dma_start3A_392, %dma_start3A_395] : memref<4x128xi32, #tpu.memory_space<vmem>> -> memref<1x128xi32, #tpu.memory_space<vmem>>
    %dma_start3A_397 = tpu.memref_squeeze %dma_start3A_396 : memref<1x128xi32, #tpu.memory_space<vmem>> -> memref<128xi32, #tpu.memory_space<vmem>>
    %dma_start3A_398 = arith.constant 0 : i32
    %dma_start3A_399 = tpu.memref_slice %arg5[%dma_start3A_398] : memref<1000448xf32, #tpu.memory_space<hbm>> -> memref<1000448xf32, #tpu.memory_space<hbm>>
    tpu.enqueue_indirect_dma source(%dma_start3A_399 : memref<1000448xf32, #tpu.memory_space<hbm>>) target(%dma_start3A_394 : memref<128xf32, #tpu.memory_space<vmem>>) offsets(%dma_start3A_397 : memref<128xi32, #tpu.memory_space<vmem>>) semaphore(%arg20 : memref<!tpu.dma_semaphore, #tpu.memory_space<semaphore_mem>>)
    %dma_start3A_400 = arith.constant 0 : i32
    %dma_start3A_401 = arith.constant 0 : i32
    %dma_start3A_402 = tpu.memref_slice %arg16[%dma_start3A_401] : memref<512xf32, #tpu.memory_space<vmem>> -> memref<128xf32, #tpu.memory_space<vmem>>
    %dma_start3A_403 = arith.constant 0 : i32
    %dma_start3A_404 = tpu.memref_slice %arg12[%dma_start3A_400, %dma_start3A_403] : memref<4x128xi32, #tpu.memory_space<vmem>> -> memref<1x128xi32, #tpu.memory_space<vmem>>
    %dma_start3A_405 = tpu.memref_squeeze %dma_start3A_404 : memref<1x128xi32, #tpu.memory_space<vmem>> -> memref<128xi32, #tpu.memory_space<vmem>>
    %dma_start3A_406 = arith.constant 0 : i32
    %dma_start3A_407 = tpu.memref_slice %arg6[%dma_start3A_406] : memref<1000448xf32, #tpu.memory_space<hbm>> -> memref<1000448xf32, #tpu.memory_space<hbm>>
    tpu.enqueue_indirect_dma source(%dma_start3A_407 : memref<1000448xf32, #tpu.memory_space<hbm>>) target(%dma_start3A_402 : memref<128xf32, #tpu.memory_space<vmem>>) offsets(%dma_start3A_405 : memref<128xi32, #tpu.memory_space<vmem>>) semaphore(%arg20 : memref<!tpu.dma_semaphore, #tpu.memory_space<semaphore_mem>>)
    %dma_start3A_408 = arith.constant 0 : i32
    %dma_start3A_409 = arith.constant 0 : i32
    %dma_start3A_410 = tpu.memref_slice %arg17[%dma_start3A_409] : memref<512xf32, #tpu.memory_space<vmem>> -> memref<128xf32, #tpu.memory_space<vmem>>
    %dma_start3A_411 = arith.constant 0 : i32
    %dma_start3A_412 = tpu.memref_slice %arg13[%dma_start3A_408, %dma_start3A_411] : memref<4x128xi32, #tpu.memory_space<vmem>> -> memref<1x128xi32, #tpu.memory_space<vmem>>
    %dma_start3A_413 = tpu.memref_squeeze %dma_start3A_412 : memref<1x128xi32, #tpu.memory_space<vmem>> -> memref<128xi32, #tpu.memory_space<vmem>>
    %dma_start3A_414 = arith.constant 0 : i32
    %dma_start3A_415 = tpu.memref_slice %arg7[%dma_start3A_414] : memref<1000448xf32, #tpu.memory_space<hbm>> -> memref<1000448xf32, #tpu.memory_space<hbm>>
    tpu.enqueue_indirect_dma source(%dma_start3A_415 : memref<1000448xf32, #tpu.memory_space<hbm>>) target(%dma_start3A_410 : memref<128xf32, #tpu.memory_space<vmem>>) offsets(%dma_start3A_413 : memref<128xi32, #tpu.memory_space<vmem>>) semaphore(%arg20 : memref<!tpu.dma_semaphore, #tpu.memory_space<semaphore_mem>>)
    %dma_start3A_416 = arith.constant 1 : i32
    %dma_start3A_417 = arith.constant 128 : i32
    %dma_start3A_418 = tpu.memref_slice %arg14[%dma_start3A_417] : memref<512xf32, #tpu.memory_space<vmem>> -> memref<128xf32, #tpu.memory_space<vmem>>
    %dma_start3A_419 = arith.constant 0 : i32
    %dma_start3A_420 = tpu.memref_slice %arg12[%dma_start3A_416, %dma_start3A_419] : memref<4x128xi32, #tpu.memory_space<vmem>> -> memref<1x128xi32, #tpu.memory_space<vmem>>
    %dma_start3A_421 = tpu.memref_squeeze %dma_start3A_420 : memref<1x128xi32, #tpu.memory_space<vmem>> -> memref<128xi32, #tpu.memory_space<vmem>>
    %dma_start3A_422 = arith.constant 0 : i32
    %dma_start3A_423 = tpu.memref_slice %arg4[%dma_start3A_422] : memref<1000448xf32, #tpu.memory_space<hbm>> -> memref<1000448xf32, #tpu.memory_space<hbm>>
    tpu.enqueue_indirect_dma source(%dma_start3A_423 : memref<1000448xf32, #tpu.memory_space<hbm>>) target(%dma_start3A_418 : memref<128xf32, #tpu.memory_space<vmem>>) offsets(%dma_start3A_421 : memref<128xi32, #tpu.memory_space<vmem>>) semaphore(%arg20 : memref<!tpu.dma_semaphore, #tpu.memory_space<semaphore_mem>>)
    %dma_start3A_424 = arith.constant 1 : i32
    %dma_start3A_425 = arith.constant 128 : i32
    %dma_start3A_426 = tpu.memref_slice %arg15[%dma_start3A_425] : memref<512xf32, #tpu.memory_space<vmem>> -> memref<128xf32, #tpu.memory_space<vmem>>
    %dma_start3A_427 = arith.constant 0 : i32
    %dma_start3A_428 = tpu.memref_slice %arg13[%dma_start3A_424, %dma_start3A_427] : memref<4x128xi32, #tpu.memory_space<vmem>> -> memref<1x128xi32, #tpu.memory_space<vmem>>
    %dma_start3A_429 = tpu.memref_squeeze %dma_start3A_428 : memref<1x128xi32, #tpu.memory_space<vmem>> -> memref<128xi32, #tpu.memory_space<vmem>>
    %dma_start3A_430 = arith.constant 0 : i32
    %dma_start3A_431 = tpu.memref_slice %arg5[%dma_start3A_430] : memref<1000448xf32, #tpu.memory_space<hbm>> -> memref<1000448xf32, #tpu.memory_space<hbm>>
    tpu.enqueue_indirect_dma source(%dma_start3A_431 : memref<1000448xf32, #tpu.memory_space<hbm>>) target(%dma_start3A_426 : memref<128xf32, #tpu.memory_space<vmem>>) offsets(%dma_start3A_429 : memref<128xi32, #tpu.memory_space<vmem>>) semaphore(%arg20 : memref<!tpu.dma_semaphore, #tpu.memory_space<semaphore_mem>>)
    %dma_start3A_432 = arith.constant 1 : i32
    %dma_start3A_433 = arith.constant 128 : i32
    %dma_start3A_434 = tpu.memref_slice %arg16[%dma_start3A_433] : memref<512xf32, #tpu.memory_space<vmem>> -> memref<128xf32, #tpu.memory_space<vmem>>
    %dma_start3A_435 = arith.constant 0 : i32
    %dma_start3A_436 = tpu.memref_slice %arg12[%dma_start3A_432, %dma_start3A_435] : memref<4x128xi32, #tpu.memory_space<vmem>> -> memref<1x128xi32, #tpu.memory_space<vmem>>
    %dma_start3A_437 = tpu.memref_squeeze %dma_start3A_436 : memref<1x128xi32, #tpu.memory_space<vmem>> -> memref<128xi32, #tpu.memory_space<vmem>>
    %dma_start3A_438 = arith.constant 0 : i32
    %dma_start3A_439 = tpu.memref_slice %arg6[%dma_start3A_438] : memref<1000448xf32, #tpu.memory_space<hbm>> -> memref<1000448xf32, #tpu.memory_space<hbm>>
    tpu.enqueue_indirect_dma source(%dma_start3A_439 : memref<1000448xf32, #tpu.memory_space<hbm>>) target(%dma_start3A_434 : memref<128xf32, #tpu.memory_space<vmem>>) offsets(%dma_start3A_437 : memref<128xi32, #tpu.memory_space<vmem>>) semaphore(%arg20 : memref<!tpu.dma_semaphore, #tpu.memory_space<semaphore_mem>>)
    %dma_start3A_440 = arith.constant 1 : i32
    %dma_start3A_441 = arith.constant 128 : i32
    %dma_start3A_442 = tpu.memref_slice %arg17[%dma_start3A_441] : memref<512xf32, #tpu.memory_space<vmem>> -> memref<128xf32, #tpu.memory_space<vmem>>
    %dma_start3A_443 = arith.constant 0 : i32
    %dma_start3A_444 = tpu.memref_slice %arg13[%dma_start3A_440, %dma_start3A_443] : memref<4x128xi32, #tpu.memory_space<vmem>> -> memref<1x128xi32, #tpu.memory_space<vmem>>
    %dma_start3A_445 = tpu.memref_squeeze %dma_start3A_444 : memref<1x128xi32, #tpu.memory_space<vmem>> -> memref<128xi32, #tpu.memory_space<vmem>>
    %dma_start3A_446 = arith.constant 0 : i32
    %dma_start3A_447 = tpu.memref_slice %arg7[%dma_start3A_446] : memref<1000448xf32, #tpu.memory_space<hbm>> -> memref<1000448xf32, #tpu.memory_space<hbm>>
    tpu.enqueue_indirect_dma source(%dma_start3A_447 : memref<1000448xf32, #tpu.memory_space<hbm>>) target(%dma_start3A_442 : memref<128xf32, #tpu.memory_space<vmem>>) offsets(%dma_start3A_445 : memref<128xi32, #tpu.memory_space<vmem>>) semaphore(%arg20 : memref<!tpu.dma_semaphore, #tpu.memory_space<semaphore_mem>>)
    %dma_start3A_448 = arith.constant 2 : i32
    %dma_start3A_449 = arith.constant 256 : i32
    %dma_start3A_450 = tpu.memref_slice %arg14[%dma_start3A_449] : memref<512xf32, #tpu.memory_space<vmem>> -> memref<128xf32, #tpu.memory_space<vmem>>
    %dma_start3A_451 = arith.constant 0 : i32
    %dma_start3A_452 = tpu.memref_slice %arg12[%dma_start3A_448, %dma_start3A_451] : memref<4x128xi32, #tpu.memory_space<vmem>> -> memref<1x128xi32, #tpu.memory_space<vmem>>
    %dma_start3A_453 = tpu.memref_squeeze %dma_start3A_452 : memref<1x128xi32, #tpu.memory_space<vmem>> -> memref<128xi32, #tpu.memory_space<vmem>>
    %dma_start3A_454 = arith.constant 0 : i32
    %dma_start3A_455 = tpu.memref_slice %arg4[%dma_start3A_454] : memref<1000448xf32, #tpu.memory_space<hbm>> -> memref<1000448xf32, #tpu.memory_space<hbm>>
    tpu.enqueue_indirect_dma source(%dma_start3A_455 : memref<1000448xf32, #tpu.memory_space<hbm>>) target(%dma_start3A_450 : memref<128xf32, #tpu.memory_space<vmem>>) offsets(%dma_start3A_453 : memref<128xi32, #tpu.memory_space<vmem>>) semaphore(%arg20 : memref<!tpu.dma_semaphore, #tpu.memory_space<semaphore_mem>>)
    %dma_start3A_456 = arith.constant 2 : i32
    %dma_start3A_457 = arith.constant 256 : i32
    %dma_start3A_458 = tpu.memref_slice %arg15[%dma_start3A_457] : memref<512xf32, #tpu.memory_space<vmem>> -> memref<128xf32, #tpu.memory_space<vmem>>
    %dma_start3A_459 = arith.constant 0 : i32
    %dma_start3A_460 = tpu.memref_slice %arg13[%dma_start3A_456, %dma_start3A_459] : memref<4x128xi32, #tpu.memory_space<vmem>> -> memref<1x128xi32, #tpu.memory_space<vmem>>
    %dma_start3A_461 = tpu.memref_squeeze %dma_start3A_460 : memref<1x128xi32, #tpu.memory_space<vmem>> -> memref<128xi32, #tpu.memory_space<vmem>>
    %dma_start3A_462 = arith.constant 0 : i32
    %dma_start3A_463 = tpu.memref_slice %arg5[%dma_start3A_462] : memref<1000448xf32, #tpu.memory_space<hbm>> -> memref<1000448xf32, #tpu.memory_space<hbm>>
    tpu.enqueue_indirect_dma source(%dma_start3A_463 : memref<1000448xf32, #tpu.memory_space<hbm>>) target(%dma_start3A_458 : memref<128xf32, #tpu.memory_space<vmem>>) offsets(%dma_start3A_461 : memref<128xi32, #tpu.memory_space<vmem>>) semaphore(%arg20 : memref<!tpu.dma_semaphore, #tpu.memory_space<semaphore_mem>>)
    %dma_start3A_464 = arith.constant 2 : i32
    %dma_start3A_465 = arith.constant 256 : i32
    %dma_start3A_466 = tpu.memref_slice %arg16[%dma_start3A_465] : memref<512xf32, #tpu.memory_space<vmem>> -> memref<128xf32, #tpu.memory_space<vmem>>
    %dma_start3A_467 = arith.constant 0 : i32
    %dma_start3A_468 = tpu.memref_slice %arg12[%dma_start3A_464, %dma_start3A_467] : memref<4x128xi32, #tpu.memory_space<vmem>> -> memref<1x128xi32, #tpu.memory_space<vmem>>
    %dma_start3A_469 = tpu.memref_squeeze %dma_start3A_468 : memref<1x128xi32, #tpu.memory_space<vmem>> -> memref<128xi32, #tpu.memory_space<vmem>>
    %dma_start3A_470 = arith.constant 0 : i32
    %dma_start3A_471 = tpu.memref_slice %arg6[%dma_start3A_470] : memref<1000448xf32, #tpu.memory_space<hbm>> -> memref<1000448xf32, #tpu.memory_space<hbm>>
    tpu.enqueue_indirect_dma source(%dma_start3A_471 : memref<1000448xf32, #tpu.memory_space<hbm>>) target(%dma_start3A_466 : memref<128xf32, #tpu.memory_space<vmem>>) offsets(%dma_start3A_469 : memref<128xi32, #tpu.memory_space<vmem>>) semaphore(%arg20 : memref<!tpu.dma_semaphore, #tpu.memory_space<semaphore_mem>>)
    %dma_start3A_472 = arith.constant 2 : i32
    %dma_start3A_473 = arith.constant 256 : i32
    %dma_start3A_474 = tpu.memref_slice %arg17[%dma_start3A_473] : memref<512xf32, #tpu.memory_space<vmem>> -> memref<128xf32, #tpu.memory_space<vmem>>
    %dma_start3A_475 = arith.constant 0 : i32
    %dma_start3A_476 = tpu.memref_slice %arg13[%dma_start3A_472, %dma_start3A_475] : memref<4x128xi32, #tpu.memory_space<vmem>> -> memref<1x128xi32, #tpu.memory_space<vmem>>
    %dma_start3A_477 = tpu.memref_squeeze %dma_start3A_476 : memref<1x128xi32, #tpu.memory_space<vmem>> -> memref<128xi32, #tpu.memory_space<vmem>>
    %dma_start3A_478 = arith.constant 0 : i32
    %dma_start3A_479 = tpu.memref_slice %arg7[%dma_start3A_478] : memref<1000448xf32, #tpu.memory_space<hbm>> -> memref<1000448xf32, #tpu.memory_space<hbm>>
    tpu.enqueue_indirect_dma source(%dma_start3A_479 : memref<1000448xf32, #tpu.memory_space<hbm>>) target(%dma_start3A_474 : memref<128xf32, #tpu.memory_space<vmem>>) offsets(%dma_start3A_477 : memref<128xi32, #tpu.memory_space<vmem>>) semaphore(%arg20 : memref<!tpu.dma_semaphore, #tpu.memory_space<semaphore_mem>>)
    %dma_start3A_480 = arith.constant 3 : i32
    %dma_start3A_481 = arith.constant 384 : i32
    %dma_start3A_482 = tpu.memref_slice %arg14[%dma_start3A_481] : memref<512xf32, #tpu.memory_space<vmem>> -> memref<128xf32, #tpu.memory_space<vmem>>
    %dma_start3A_483 = arith.constant 0 : i32
    %dma_start3A_484 = tpu.memref_slice %arg12[%dma_start3A_480, %dma_start3A_483] : memref<4x128xi32, #tpu.memory_space<vmem>> -> memref<1x128xi32, #tpu.memory_space<vmem>>
    %dma_start3A_485 = tpu.memref_squeeze %dma_start3A_484 : memref<1x128xi32, #tpu.memory_space<vmem>> -> memref<128xi32, #tpu.memory_space<vmem>>
    %dma_start3A_486 = arith.constant 0 : i32
    %dma_start3A_487 = tpu.memref_slice %arg4[%dma_start3A_486] : memref<1000448xf32, #tpu.memory_space<hbm>> -> memref<1000448xf32, #tpu.memory_space<hbm>>
    tpu.enqueue_indirect_dma source(%dma_start3A_487 : memref<1000448xf32, #tpu.memory_space<hbm>>) target(%dma_start3A_482 : memref<128xf32, #tpu.memory_space<vmem>>) offsets(%dma_start3A_485 : memref<128xi32, #tpu.memory_space<vmem>>) semaphore(%arg20 : memref<!tpu.dma_semaphore, #tpu.memory_space<semaphore_mem>>)
    %dma_start3A_488 = arith.constant 3 : i32
    %dma_start3A_489 = arith.constant 384 : i32
    %dma_start3A_490 = tpu.memref_slice %arg15[%dma_start3A_489] : memref<512xf32, #tpu.memory_space<vmem>> -> memref<128xf32, #tpu.memory_space<vmem>>
    %dma_start3A_491 = arith.constant 0 : i32
    %dma_start3A_492 = tpu.memref_slice %arg13[%dma_start3A_488, %dma_start3A_491] : memref<4x128xi32, #tpu.memory_space<vmem>> -> memref<1x128xi32, #tpu.memory_space<vmem>>
    %dma_start3A_493 = tpu.memref_squeeze %dma_start3A_492 : memref<1x128xi32, #tpu.memory_space<vmem>> -> memref<128xi32, #tpu.memory_space<vmem>>
    %dma_start3A_494 = arith.constant 0 : i32
    %dma_start3A_495 = tpu.memref_slice %arg5[%dma_start3A_494] : memref<1000448xf32, #tpu.memory_space<hbm>> -> memref<1000448xf32, #tpu.memory_space<hbm>>
    tpu.enqueue_indirect_dma source(%dma_start3A_495 : memref<1000448xf32, #tpu.memory_space<hbm>>) target(%dma_start3A_490 : memref<128xf32, #tpu.memory_space<vmem>>) offsets(%dma_start3A_493 : memref<128xi32, #tpu.memory_space<vmem>>) semaphore(%arg20 : memref<!tpu.dma_semaphore, #tpu.memory_space<semaphore_mem>>)
    %dma_start3A_496 = arith.constant 3 : i32
    %dma_start3A_497 = arith.constant 384 : i32
    %dma_start3A_498 = tpu.memref_slice %arg16[%dma_start3A_497] : memref<512xf32, #tpu.memory_space<vmem>> -> memref<128xf32, #tpu.memory_space<vmem>>
    %dma_start3A_499 = arith.constant 0 : i32
    %dma_start3A_500 = tpu.memref_slice %arg12[%dma_start3A_496, %dma_start3A_499] : memref<4x128xi32, #tpu.memory_space<vmem>> -> memref<1x128xi32, #tpu.memory_space<vmem>>
    %dma_start3A_501 = tpu.memref_squeeze %dma_start3A_500 : memref<1x128xi32, #tpu.memory_space<vmem>> -> memref<128xi32, #tpu.memory_space<vmem>>
    %dma_start3A_502 = arith.constant 0 : i32
    %dma_start3A_503 = tpu.memref_slice %arg6[%dma_start3A_502] : memref<1000448xf32, #tpu.memory_space<hbm>> -> memref<1000448xf32, #tpu.memory_space<hbm>>
    tpu.enqueue_indirect_dma source(%dma_start3A_503 : memref<1000448xf32, #tpu.memory_space<hbm>>) target(%dma_start3A_498 : memref<128xf32, #tpu.memory_space<vmem>>) offsets(%dma_start3A_501 : memref<128xi32, #tpu.memory_space<vmem>>) semaphore(%arg20 : memref<!tpu.dma_semaphore, #tpu.memory_space<semaphore_mem>>)
    %dma_start3A_504 = arith.constant 3 : i32
    %dma_start3A_505 = arith.constant 384 : i32
    %dma_start3A_506 = tpu.memref_slice %arg17[%dma_start3A_505] : memref<512xf32, #tpu.memory_space<vmem>> -> memref<128xf32, #tpu.memory_space<vmem>>
    %dma_start3A_507 = arith.constant 0 : i32
    %dma_start3A_508 = tpu.memref_slice %arg13[%dma_start3A_504, %dma_start3A_507] : memref<4x128xi32, #tpu.memory_space<vmem>> -> memref<1x128xi32, #tpu.memory_space<vmem>>
    %dma_start3A_509 = tpu.memref_squeeze %dma_start3A_508 : memref<1x128xi32, #tpu.memory_space<vmem>> -> memref<128xi32, #tpu.memory_space<vmem>>
    %dma_start3A_510 = arith.constant 0 : i32
    %dma_start3A_511 = tpu.memref_slice %arg7[%dma_start3A_510] : memref<1000448xf32, #tpu.memory_space<hbm>> -> memref<1000448xf32, #tpu.memory_space<hbm>>
    tpu.enqueue_indirect_dma source(%dma_start3A_511 : memref<1000448xf32, #tpu.memory_space<hbm>>) target(%dma_start3A_506 : memref<128xf32, #tpu.memory_space<vmem>>) offsets(%dma_start3A_509 : memref<128xi32, #tpu.memory_space<vmem>>) semaphore(%arg20 : memref<!tpu.dma_semaphore, #tpu.memory_space<semaphore_mem>>)
    %dma_wait3A = arith.constant 0 : i32
    %dma_wait3A_512 = arith.constant 0 : i32
    %dma_wait3A_513 = tpu.memref_slice %arg14[%dma_wait3A_512] : memref<512xf32, #tpu.memory_space<vmem>> -> memref<128xf32, #tpu.memory_space<vmem>>
    %dma_wait3A_514 = arith.constant 0 : i32
    %dma_wait3A_515 = tpu.memref_slice %arg12[%dma_wait3A, %dma_wait3A_514] : memref<4x128xi32, #tpu.memory_space<vmem>> -> memref<1x128xi32, #tpu.memory_space<vmem>>
    %dma_wait3A_516 = tpu.memref_squeeze %dma_wait3A_515 : memref<1x128xi32, #tpu.memory_space<vmem>> -> memref<128xi32, #tpu.memory_space<vmem>>
    %dma_wait3A_517 = arith.constant 0 : i32
    %dma_wait3A_518 = tpu.memref_slice %arg4[%dma_wait3A_517] : memref<1000448xf32, #tpu.memory_space<hbm>> -> memref<1000448xf32, #tpu.memory_space<hbm>>
    tpu.wait_indirect_dma semaphore(%arg20 : memref<!tpu.dma_semaphore, #tpu.memory_space<semaphore_mem>>) src(%dma_wait3A_518 : memref<1000448xf32, #tpu.memory_space<hbm>>) dst(%dma_wait3A_513 : memref<128xf32, #tpu.memory_space<vmem>>)
    %dma_wait3A_519 = arith.constant 0 : i32
    %dma_wait3A_520 = arith.constant 0 : i32
    %dma_wait3A_521 = tpu.memref_slice %arg15[%dma_wait3A_520] : memref<512xf32, #tpu.memory_space<vmem>> -> memref<128xf32, #tpu.memory_space<vmem>>
    %dma_wait3A_522 = arith.constant 0 : i32
    %dma_wait3A_523 = tpu.memref_slice %arg13[%dma_wait3A_519, %dma_wait3A_522] : memref<4x128xi32, #tpu.memory_space<vmem>> -> memref<1x128xi32, #tpu.memory_space<vmem>>
    %dma_wait3A_524 = tpu.memref_squeeze %dma_wait3A_523 : memref<1x128xi32, #tpu.memory_space<vmem>> -> memref<128xi32, #tpu.memory_space<vmem>>
    %dma_wait3A_525 = arith.constant 0 : i32
    %dma_wait3A_526 = tpu.memref_slice %arg5[%dma_wait3A_525] : memref<1000448xf32, #tpu.memory_space<hbm>> -> memref<1000448xf32, #tpu.memory_space<hbm>>
    tpu.wait_indirect_dma semaphore(%arg20 : memref<!tpu.dma_semaphore, #tpu.memory_space<semaphore_mem>>) src(%dma_wait3A_526 : memref<1000448xf32, #tpu.memory_space<hbm>>) dst(%dma_wait3A_521 : memref<128xf32, #tpu.memory_space<vmem>>)
    %dma_wait3A_527 = arith.constant 0 : i32
    %dma_wait3A_528 = arith.constant 0 : i32
    %dma_wait3A_529 = tpu.memref_slice %arg16[%dma_wait3A_528] : memref<512xf32, #tpu.memory_space<vmem>> -> memref<128xf32, #tpu.memory_space<vmem>>
    %dma_wait3A_530 = arith.constant 0 : i32
    %dma_wait3A_531 = tpu.memref_slice %arg12[%dma_wait3A_527, %dma_wait3A_530] : memref<4x128xi32, #tpu.memory_space<vmem>> -> memref<1x128xi32, #tpu.memory_space<vmem>>
    %dma_wait3A_532 = tpu.memref_squeeze %dma_wait3A_531 : memref<1x128xi32, #tpu.memory_space<vmem>> -> memref<128xi32, #tpu.memory_space<vmem>>
    %dma_wait3A_533 = arith.constant 0 : i32
    %dma_wait3A_534 = tpu.memref_slice %arg6[%dma_wait3A_533] : memref<1000448xf32, #tpu.memory_space<hbm>> -> memref<1000448xf32, #tpu.memory_space<hbm>>
    tpu.wait_indirect_dma semaphore(%arg20 : memref<!tpu.dma_semaphore, #tpu.memory_space<semaphore_mem>>) src(%dma_wait3A_534 : memref<1000448xf32, #tpu.memory_space<hbm>>) dst(%dma_wait3A_529 : memref<128xf32, #tpu.memory_space<vmem>>)
    %dma_wait3A_535 = arith.constant 0 : i32
    %dma_wait3A_536 = arith.constant 0 : i32
    %dma_wait3A_537 = tpu.memref_slice %arg17[%dma_wait3A_536] : memref<512xf32, #tpu.memory_space<vmem>> -> memref<128xf32, #tpu.memory_space<vmem>>
    %dma_wait3A_538 = arith.constant 0 : i32
    %dma_wait3A_539 = tpu.memref_slice %arg13[%dma_wait3A_535, %dma_wait3A_538] : memref<4x128xi32, #tpu.memory_space<vmem>> -> memref<1x128xi32, #tpu.memory_space<vmem>>
    %dma_wait3A_540 = tpu.memref_squeeze %dma_wait3A_539 : memref<1x128xi32, #tpu.memory_space<vmem>> -> memref<128xi32, #tpu.memory_space<vmem>>
    %dma_wait3A_541 = arith.constant 0 : i32
    %dma_wait3A_542 = tpu.memref_slice %arg7[%dma_wait3A_541] : memref<1000448xf32, #tpu.memory_space<hbm>> -> memref<1000448xf32, #tpu.memory_space<hbm>>
    tpu.wait_indirect_dma semaphore(%arg20 : memref<!tpu.dma_semaphore, #tpu.memory_space<semaphore_mem>>) src(%dma_wait3A_542 : memref<1000448xf32, #tpu.memory_space<hbm>>) dst(%dma_wait3A_537 : memref<128xf32, #tpu.memory_space<vmem>>)
    %dma_wait3A_543 = arith.constant 1 : i32
    %dma_wait3A_544 = arith.constant 128 : i32
    %dma_wait3A_545 = tpu.memref_slice %arg14[%dma_wait3A_544] : memref<512xf32, #tpu.memory_space<vmem>> -> memref<128xf32, #tpu.memory_space<vmem>>
    %dma_wait3A_546 = arith.constant 0 : i32
    %dma_wait3A_547 = tpu.memref_slice %arg12[%dma_wait3A_543, %dma_wait3A_546] : memref<4x128xi32, #tpu.memory_space<vmem>> -> memref<1x128xi32, #tpu.memory_space<vmem>>
    %dma_wait3A_548 = tpu.memref_squeeze %dma_wait3A_547 : memref<1x128xi32, #tpu.memory_space<vmem>> -> memref<128xi32, #tpu.memory_space<vmem>>
    %dma_wait3A_549 = arith.constant 0 : i32
    %dma_wait3A_550 = tpu.memref_slice %arg4[%dma_wait3A_549] : memref<1000448xf32, #tpu.memory_space<hbm>> -> memref<1000448xf32, #tpu.memory_space<hbm>>
    tpu.wait_indirect_dma semaphore(%arg20 : memref<!tpu.dma_semaphore, #tpu.memory_space<semaphore_mem>>) src(%dma_wait3A_550 : memref<1000448xf32, #tpu.memory_space<hbm>>) dst(%dma_wait3A_545 : memref<128xf32, #tpu.memory_space<vmem>>)
    %dma_wait3A_551 = arith.constant 1 : i32
    %dma_wait3A_552 = arith.constant 128 : i32
    %dma_wait3A_553 = tpu.memref_slice %arg15[%dma_wait3A_552] : memref<512xf32, #tpu.memory_space<vmem>> -> memref<128xf32, #tpu.memory_space<vmem>>
    %dma_wait3A_554 = arith.constant 0 : i32
    %dma_wait3A_555 = tpu.memref_slice %arg13[%dma_wait3A_551, %dma_wait3A_554] : memref<4x128xi32, #tpu.memory_space<vmem>> -> memref<1x128xi32, #tpu.memory_space<vmem>>
    %dma_wait3A_556 = tpu.memref_squeeze %dma_wait3A_555 : memref<1x128xi32, #tpu.memory_space<vmem>> -> memref<128xi32, #tpu.memory_space<vmem>>
    %dma_wait3A_557 = arith.constant 0 : i32
    %dma_wait3A_558 = tpu.memref_slice %arg5[%dma_wait3A_557] : memref<1000448xf32, #tpu.memory_space<hbm>> -> memref<1000448xf32, #tpu.memory_space<hbm>>
    tpu.wait_indirect_dma semaphore(%arg20 : memref<!tpu.dma_semaphore, #tpu.memory_space<semaphore_mem>>) src(%dma_wait3A_558 : memref<1000448xf32, #tpu.memory_space<hbm>>) dst(%dma_wait3A_553 : memref<128xf32, #tpu.memory_space<vmem>>)
    %dma_wait3A_559 = arith.constant 1 : i32
    %dma_wait3A_560 = arith.constant 128 : i32
    %dma_wait3A_561 = tpu.memref_slice %arg16[%dma_wait3A_560] : memref<512xf32, #tpu.memory_space<vmem>> -> memref<128xf32, #tpu.memory_space<vmem>>
    %dma_wait3A_562 = arith.constant 0 : i32
    %dma_wait3A_563 = tpu.memref_slice %arg12[%dma_wait3A_559, %dma_wait3A_562] : memref<4x128xi32, #tpu.memory_space<vmem>> -> memref<1x128xi32, #tpu.memory_space<vmem>>
    %dma_wait3A_564 = tpu.memref_squeeze %dma_wait3A_563 : memref<1x128xi32, #tpu.memory_space<vmem>> -> memref<128xi32, #tpu.memory_space<vmem>>
    %dma_wait3A_565 = arith.constant 0 : i32
    %dma_wait3A_566 = tpu.memref_slice %arg6[%dma_wait3A_565] : memref<1000448xf32, #tpu.memory_space<hbm>> -> memref<1000448xf32, #tpu.memory_space<hbm>>
    tpu.wait_indirect_dma semaphore(%arg20 : memref<!tpu.dma_semaphore, #tpu.memory_space<semaphore_mem>>) src(%dma_wait3A_566 : memref<1000448xf32, #tpu.memory_space<hbm>>) dst(%dma_wait3A_561 : memref<128xf32, #tpu.memory_space<vmem>>)
    %dma_wait3A_567 = arith.constant 1 : i32
    %dma_wait3A_568 = arith.constant 128 : i32
    %dma_wait3A_569 = tpu.memref_slice %arg17[%dma_wait3A_568] : memref<512xf32, #tpu.memory_space<vmem>> -> memref<128xf32, #tpu.memory_space<vmem>>
    %dma_wait3A_570 = arith.constant 0 : i32
    %dma_wait3A_571 = tpu.memref_slice %arg13[%dma_wait3A_567, %dma_wait3A_570] : memref<4x128xi32, #tpu.memory_space<vmem>> -> memref<1x128xi32, #tpu.memory_space<vmem>>
    %dma_wait3A_572 = tpu.memref_squeeze %dma_wait3A_571 : memref<1x128xi32, #tpu.memory_space<vmem>> -> memref<128xi32, #tpu.memory_space<vmem>>
    %dma_wait3A_573 = arith.constant 0 : i32
    %dma_wait3A_574 = tpu.memref_slice %arg7[%dma_wait3A_573] : memref<1000448xf32, #tpu.memory_space<hbm>> -> memref<1000448xf32, #tpu.memory_space<hbm>>
    tpu.wait_indirect_dma semaphore(%arg20 : memref<!tpu.dma_semaphore, #tpu.memory_space<semaphore_mem>>) src(%dma_wait3A_574 : memref<1000448xf32, #tpu.memory_space<hbm>>) dst(%dma_wait3A_569 : memref<128xf32, #tpu.memory_space<vmem>>)
    %dma_wait3A_575 = arith.constant 2 : i32
    %dma_wait3A_576 = arith.constant 256 : i32
    %dma_wait3A_577 = tpu.memref_slice %arg14[%dma_wait3A_576] : memref<512xf32, #tpu.memory_space<vmem>> -> memref<128xf32, #tpu.memory_space<vmem>>
    %dma_wait3A_578 = arith.constant 0 : i32
    %dma_wait3A_579 = tpu.memref_slice %arg12[%dma_wait3A_575, %dma_wait3A_578] : memref<4x128xi32, #tpu.memory_space<vmem>> -> memref<1x128xi32, #tpu.memory_space<vmem>>
    %dma_wait3A_580 = tpu.memref_squeeze %dma_wait3A_579 : memref<1x128xi32, #tpu.memory_space<vmem>> -> memref<128xi32, #tpu.memory_space<vmem>>
    %dma_wait3A_581 = arith.constant 0 : i32
    %dma_wait3A_582 = tpu.memref_slice %arg4[%dma_wait3A_581] : memref<1000448xf32, #tpu.memory_space<hbm>> -> memref<1000448xf32, #tpu.memory_space<hbm>>
    tpu.wait_indirect_dma semaphore(%arg20 : memref<!tpu.dma_semaphore, #tpu.memory_space<semaphore_mem>>) src(%dma_wait3A_582 : memref<1000448xf32, #tpu.memory_space<hbm>>) dst(%dma_wait3A_577 : memref<128xf32, #tpu.memory_space<vmem>>)
    %dma_wait3A_583 = arith.constant 2 : i32
    %dma_wait3A_584 = arith.constant 256 : i32
    %dma_wait3A_585 = tpu.memref_slice %arg15[%dma_wait3A_584] : memref<512xf32, #tpu.memory_space<vmem>> -> memref<128xf32, #tpu.memory_space<vmem>>
    %dma_wait3A_586 = arith.constant 0 : i32
    %dma_wait3A_587 = tpu.memref_slice %arg13[%dma_wait3A_583, %dma_wait3A_586] : memref<4x128xi32, #tpu.memory_space<vmem>> -> memref<1x128xi32, #tpu.memory_space<vmem>>
    %dma_wait3A_588 = tpu.memref_squeeze %dma_wait3A_587 : memref<1x128xi32, #tpu.memory_space<vmem>> -> memref<128xi32, #tpu.memory_space<vmem>>
    %dma_wait3A_589 = arith.constant 0 : i32
    %dma_wait3A_590 = tpu.memref_slice %arg5[%dma_wait3A_589] : memref<1000448xf32, #tpu.memory_space<hbm>> -> memref<1000448xf32, #tpu.memory_space<hbm>>
    tpu.wait_indirect_dma semaphore(%arg20 : memref<!tpu.dma_semaphore, #tpu.memory_space<semaphore_mem>>) src(%dma_wait3A_590 : memref<1000448xf32, #tpu.memory_space<hbm>>) dst(%dma_wait3A_585 : memref<128xf32, #tpu.memory_space<vmem>>)
    %dma_wait3A_591 = arith.constant 2 : i32
    %dma_wait3A_592 = arith.constant 256 : i32
    %dma_wait3A_593 = tpu.memref_slice %arg16[%dma_wait3A_592] : memref<512xf32, #tpu.memory_space<vmem>> -> memref<128xf32, #tpu.memory_space<vmem>>
    %dma_wait3A_594 = arith.constant 0 : i32
    %dma_wait3A_595 = tpu.memref_slice %arg12[%dma_wait3A_591, %dma_wait3A_594] : memref<4x128xi32, #tpu.memory_space<vmem>> -> memref<1x128xi32, #tpu.memory_space<vmem>>
    %dma_wait3A_596 = tpu.memref_squeeze %dma_wait3A_595 : memref<1x128xi32, #tpu.memory_space<vmem>> -> memref<128xi32, #tpu.memory_space<vmem>>
    %dma_wait3A_597 = arith.constant 0 : i32
    %dma_wait3A_598 = tpu.memref_slice %arg6[%dma_wait3A_597] : memref<1000448xf32, #tpu.memory_space<hbm>> -> memref<1000448xf32, #tpu.memory_space<hbm>>
    tpu.wait_indirect_dma semaphore(%arg20 : memref<!tpu.dma_semaphore, #tpu.memory_space<semaphore_mem>>) src(%dma_wait3A_598 : memref<1000448xf32, #tpu.memory_space<hbm>>) dst(%dma_wait3A_593 : memref<128xf32, #tpu.memory_space<vmem>>)
    %dma_wait3A_599 = arith.constant 2 : i32
    %dma_wait3A_600 = arith.constant 256 : i32
    %dma_wait3A_601 = tpu.memref_slice %arg17[%dma_wait3A_600] : memref<512xf32, #tpu.memory_space<vmem>> -> memref<128xf32, #tpu.memory_space<vmem>>
    %dma_wait3A_602 = arith.constant 0 : i32
    %dma_wait3A_603 = tpu.memref_slice %arg13[%dma_wait3A_599, %dma_wait3A_602] : memref<4x128xi32, #tpu.memory_space<vmem>> -> memref<1x128xi32, #tpu.memory_space<vmem>>
    %dma_wait3A_604 = tpu.memref_squeeze %dma_wait3A_603 : memref<1x128xi32, #tpu.memory_space<vmem>> -> memref<128xi32, #tpu.memory_space<vmem>>
    %dma_wait3A_605 = arith.constant 0 : i32
    %dma_wait3A_606 = tpu.memref_slice %arg7[%dma_wait3A_605] : memref<1000448xf32, #tpu.memory_space<hbm>> -> memref<1000448xf32, #tpu.memory_space<hbm>>
    tpu.wait_indirect_dma semaphore(%arg20 : memref<!tpu.dma_semaphore, #tpu.memory_space<semaphore_mem>>) src(%dma_wait3A_606 : memref<1000448xf32, #tpu.memory_space<hbm>>) dst(%dma_wait3A_601 : memref<128xf32, #tpu.memory_space<vmem>>)
    %dma_wait3A_607 = arith.constant 3 : i32
    %dma_wait3A_608 = arith.constant 384 : i32
    %dma_wait3A_609 = tpu.memref_slice %arg14[%dma_wait3A_608] : memref<512xf32, #tpu.memory_space<vmem>> -> memref<128xf32, #tpu.memory_space<vmem>>
    %dma_wait3A_610 = arith.constant 0 : i32
    %dma_wait3A_611 = tpu.memref_slice %arg12[%dma_wait3A_607, %dma_wait3A_610] : memref<4x128xi32, #tpu.memory_space<vmem>> -> memref<1x128xi32, #tpu.memory_space<vmem>>
    %dma_wait3A_612 = tpu.memref_squeeze %dma_wait3A_611 : memref<1x128xi32, #tpu.memory_space<vmem>> -> memref<128xi32, #tpu.memory_space<vmem>>
    %dma_wait3A_613 = arith.constant 0 : i32
    %dma_wait3A_614 = tpu.memref_slice %arg4[%dma_wait3A_613] : memref<1000448xf32, #tpu.memory_space<hbm>> -> memref<1000448xf32, #tpu.memory_space<hbm>>
    tpu.wait_indirect_dma semaphore(%arg20 : memref<!tpu.dma_semaphore, #tpu.memory_space<semaphore_mem>>) src(%dma_wait3A_614 : memref<1000448xf32, #tpu.memory_space<hbm>>) dst(%dma_wait3A_609 : memref<128xf32, #tpu.memory_space<vmem>>)
    %dma_wait3A_615 = arith.constant 3 : i32
    %dma_wait3A_616 = arith.constant 384 : i32
    %dma_wait3A_617 = tpu.memref_slice %arg15[%dma_wait3A_616] : memref<512xf32, #tpu.memory_space<vmem>> -> memref<128xf32, #tpu.memory_space<vmem>>
    %dma_wait3A_618 = arith.constant 0 : i32
    %dma_wait3A_619 = tpu.memref_slice %arg13[%dma_wait3A_615, %dma_wait3A_618] : memref<4x128xi32, #tpu.memory_space<vmem>> -> memref<1x128xi32, #tpu.memory_space<vmem>>
    %dma_wait3A_620 = tpu.memref_squeeze %dma_wait3A_619 : memref<1x128xi32, #tpu.memory_space<vmem>> -> memref<128xi32, #tpu.memory_space<vmem>>
    %dma_wait3A_621 = arith.constant 0 : i32
    %dma_wait3A_622 = tpu.memref_slice %arg5[%dma_wait3A_621] : memref<1000448xf32, #tpu.memory_space<hbm>> -> memref<1000448xf32, #tpu.memory_space<hbm>>
    tpu.wait_indirect_dma semaphore(%arg20 : memref<!tpu.dma_semaphore, #tpu.memory_space<semaphore_mem>>) src(%dma_wait3A_622 : memref<1000448xf32, #tpu.memory_space<hbm>>) dst(%dma_wait3A_617 : memref<128xf32, #tpu.memory_space<vmem>>)
    %dma_wait3A_623 = arith.constant 3 : i32
    %dma_wait3A_624 = arith.constant 384 : i32
    %dma_wait3A_625 = tpu.memref_slice %arg16[%dma_wait3A_624] : memref<512xf32, #tpu.memory_space<vmem>> -> memref<128xf32, #tpu.memory_space<vmem>>
    %dma_wait3A_626 = arith.constant 0 : i32
    %dma_wait3A_627 = tpu.memref_slice %arg12[%dma_wait3A_623, %dma_wait3A_626] : memref<4x128xi32, #tpu.memory_space<vmem>> -> memref<1x128xi32, #tpu.memory_space<vmem>>
    %dma_wait3A_628 = tpu.memref_squeeze %dma_wait3A_627 : memref<1x128xi32, #tpu.memory_space<vmem>> -> memref<128xi32, #tpu.memory_space<vmem>>
    %dma_wait3A_629 = arith.constant 0 : i32
    %dma_wait3A_630 = tpu.memref_slice %arg6[%dma_wait3A_629] : memref<1000448xf32, #tpu.memory_space<hbm>> -> memref<1000448xf32, #tpu.memory_space<hbm>>
    tpu.wait_indirect_dma semaphore(%arg20 : memref<!tpu.dma_semaphore, #tpu.memory_space<semaphore_mem>>) src(%dma_wait3A_630 : memref<1000448xf32, #tpu.memory_space<hbm>>) dst(%dma_wait3A_625 : memref<128xf32, #tpu.memory_space<vmem>>)
    %dma_wait3A_631 = arith.constant 3 : i32
    %dma_wait3A_632 = arith.constant 384 : i32
    %dma_wait3A_633 = tpu.memref_slice %arg17[%dma_wait3A_632] : memref<512xf32, #tpu.memory_space<vmem>> -> memref<128xf32, #tpu.memory_space<vmem>>
    %dma_wait3A_634 = arith.constant 0 : i32
    %dma_wait3A_635 = tpu.memref_slice %arg13[%dma_wait3A_631, %dma_wait3A_634] : memref<4x128xi32, #tpu.memory_space<vmem>> -> memref<1x128xi32, #tpu.memory_space<vmem>>
    %dma_wait3A_636 = tpu.memref_squeeze %dma_wait3A_635 : memref<1x128xi32, #tpu.memory_space<vmem>> -> memref<128xi32, #tpu.memory_space<vmem>>
    %dma_wait3A_637 = arith.constant 0 : i32
    %dma_wait3A_638 = tpu.memref_slice %arg7[%dma_wait3A_637] : memref<1000448xf32, #tpu.memory_space<hbm>> -> memref<1000448xf32, #tpu.memory_space<hbm>>
    tpu.wait_indirect_dma semaphore(%arg20 : memref<!tpu.dma_semaphore, #tpu.memory_space<semaphore_mem>>) src(%dma_wait3A_638 : memref<1000448xf32, #tpu.memory_space<hbm>>) dst(%dma_wait3A_633 : memref<128xf32, #tpu.memory_space<vmem>>)
    %get3A_639 = arith.constant 0 : index
    %get3A_640 = tpu.vector_load %arg18[%get3A_639] {strides = array<i32>} : memref<16xf32, #tpu.memory_space<vmem>>, vector<16xf32>,
    %get3A_641 = arith.constant 0 : index
    %get3A_642 = tpu.vector_load %arg14[%get3A_641] {strides = array<i32>} : memref<512xf32, #tpu.memory_space<vmem>>, vector<16xf32>,
    %add3A_643 = arith.addf %get3A_640, %get3A_642 : vector<16xf32>
    %get3A_644 = arith.constant 0 : index
    %get3A_645 = tpu.vector_load %arg15[%get3A_644] {strides = array<i32>} : memref<512xf32, #tpu.memory_space<vmem>>, vector<16xf32>,
    %add3A_646 = arith.addf %add3A_643, %get3A_645 : vector<16xf32>
    %get3A_647 = arith.constant 0 : index
    %get3A_648 = tpu.vector_load %arg16[%get3A_647] {strides = array<i32>} : memref<512xf32, #tpu.memory_space<vmem>>, vector<16xf32>,
    %get3A_649 = arith.constant 0 : index
    %get3A_650 = tpu.vector_load %arg17[%get3A_649] {strides = array<i32>} : memref<512xf32, #tpu.memory_space<vmem>>, vector<16xf32>,
    %mul3A_651 = arith.mulf %get3A_648, %get3A_650 : vector<16xf32>
    %add3A_652 = arith.addf %add3A_646, %mul3A_651 : vector<16xf32>
    %swap3A_653 = arith.constant 0 : index
    %swap3A_654 = tpu.vector_load %arg19[%swap3A_653] {strides = array<i32>} : memref<512xf32, #tpu.memory_space<vmem>>, vector<16xf32>,
    tpu.vector_store %arg19[%swap3A_653], %add3A_652 {strides = array<i32>} : memref<512xf32, #tpu.memory_space<vmem>>, vector<16xf32>,
    %get3A_655 = arith.constant 16 : index
    %get3A_656 = tpu.vector_load %arg14[%get3A_655] {strides = array<i32>} : memref<512xf32, #tpu.memory_space<vmem>>, vector<16xf32>,
    %add3A_657 = arith.addf %get3A_640, %get3A_656 : vector<16xf32>
    %get3A_658 = arith.constant 16 : index
    %get3A_659 = tpu.vector_load %arg15[%get3A_658] {strides = array<i32>} : memref<512xf32, #tpu.memory_space<vmem>>, vector<16xf32>,
    %add3A_660 = arith.addf %add3A_657, %get3A_659 : vector<16xf32>
    %get3A_661 = arith.constant 16 : index
    %get3A_662 = tpu.vector_load %arg16[%get3A_661] {strides = array<i32>} : memref<512xf32, #tpu.memory_space<vmem>>, vector<16xf32>,
    %get3A_663 = arith.constant 16 : index
    %get3A_664 = tpu.vector_load %arg17[%get3A_663] {strides = array<i32>} : memref<512xf32, #tpu.memory_space<vmem>>, vector<16xf32>,
    %mul3A_665 = arith.mulf %get3A_662, %get3A_664 : vector<16xf32>
    %add3A_666 = arith.addf %add3A_660, %mul3A_665 : vector<16xf32>
    %swap3A_667 = arith.constant 16 : index
    %swap3A_668 = tpu.vector_load %arg19[%swap3A_667] {strides = array<i32>} : memref<512xf32, #tpu.memory_space<vmem>>, vector<16xf32>,
    tpu.vector_store %arg19[%swap3A_667], %add3A_666 {strides = array<i32>} : memref<512xf32, #tpu.memory_space<vmem>>, vector<16xf32>,
    %get3A_669 = arith.constant 32 : index
    %get3A_670 = tpu.vector_load %arg14[%get3A_669] {strides = array<i32>} : memref<512xf32, #tpu.memory_space<vmem>>, vector<16xf32>,
    %add3A_671 = arith.addf %get3A_640, %get3A_670 : vector<16xf32>
    %get3A_672 = arith.constant 32 : index
    %get3A_673 = tpu.vector_load %arg15[%get3A_672] {strides = array<i32>} : memref<512xf32, #tpu.memory_space<vmem>>, vector<16xf32>,
    %add3A_674 = arith.addf %add3A_671, %get3A_673 : vector<16xf32>
    %get3A_675 = arith.constant 32 : index
    %get3A_676 = tpu.vector_load %arg16[%get3A_675] {strides = array<i32>} : memref<512xf32, #tpu.memory_space<vmem>>, vector<16xf32>,
    %get3A_677 = arith.constant 32 : index
    %get3A_678 = tpu.vector_load %arg17[%get3A_677] {strides = array<i32>} : memref<512xf32, #tpu.memory_space<vmem>>, vector<16xf32>,
    %mul3A_679 = arith.mulf %get3A_676, %get3A_678 : vector<16xf32>
    %add3A_680 = arith.addf %add3A_674, %mul3A_679 : vector<16xf32>
    %swap3A_681 = arith.constant 32 : index
    %swap3A_682 = tpu.vector_load %arg19[%swap3A_681] {strides = array<i32>} : memref<512xf32, #tpu.memory_space<vmem>>, vector<16xf32>,
    tpu.vector_store %arg19[%swap3A_681], %add3A_680 {strides = array<i32>} : memref<512xf32, #tpu.memory_space<vmem>>, vector<16xf32>,
    %get3A_683 = arith.constant 48 : index
    %get3A_684 = tpu.vector_load %arg14[%get3A_683] {strides = array<i32>} : memref<512xf32, #tpu.memory_space<vmem>>, vector<16xf32>,
    %add3A_685 = arith.addf %get3A_640, %get3A_684 : vector<16xf32>
    %get3A_686 = arith.constant 48 : index
    %get3A_687 = tpu.vector_load %arg15[%get3A_686] {strides = array<i32>} : memref<512xf32, #tpu.memory_space<vmem>>, vector<16xf32>,
    %add3A_688 = arith.addf %add3A_685, %get3A_687 : vector<16xf32>
    %get3A_689 = arith.constant 48 : index
    %get3A_690 = tpu.vector_load %arg16[%get3A_689] {strides = array<i32>} : memref<512xf32, #tpu.memory_space<vmem>>, vector<16xf32>,
    %get3A_691 = arith.constant 48 : index
    %get3A_692 = tpu.vector_load %arg17[%get3A_691] {strides = array<i32>} : memref<512xf32, #tpu.memory_space<vmem>>, vector<16xf32>,
    %mul3A_693 = arith.mulf %get3A_690, %get3A_692 : vector<16xf32>
    %add3A_694 = arith.addf %add3A_688, %mul3A_693 : vector<16xf32>
    %swap3A_695 = arith.constant 48 : index
    %swap3A_696 = tpu.vector_load %arg19[%swap3A_695] {strides = array<i32>} : memref<512xf32, #tpu.memory_space<vmem>>, vector<16xf32>,
    tpu.vector_store %arg19[%swap3A_695], %add3A_694 {strides = array<i32>} : memref<512xf32, #tpu.memory_space<vmem>>, vector<16xf32>,
    %get3A_697 = arith.constant 64 : index
    %get3A_698 = tpu.vector_load %arg14[%get3A_697] {strides = array<i32>} : memref<512xf32, #tpu.memory_space<vmem>>, vector<16xf32>,
    %add3A_699 = arith.addf %get3A_640, %get3A_698 : vector<16xf32>
    %get3A_700 = arith.constant 64 : index
    %get3A_701 = tpu.vector_load %arg15[%get3A_700] {strides = array<i32>} : memref<512xf32, #tpu.memory_space<vmem>>, vector<16xf32>,
    %add3A_702 = arith.addf %add3A_699, %get3A_701 : vector<16xf32>
    %get3A_703 = arith.constant 64 : index
    %get3A_704 = tpu.vector_load %arg16[%get3A_703] {strides = array<i32>} : memref<512xf32, #tpu.memory_space<vmem>>, vector<16xf32>,
    %get3A_705 = arith.constant 64 : index
    %get3A_706 = tpu.vector_load %arg17[%get3A_705] {strides = array<i32>} : memref<512xf32, #tpu.memory_space<vmem>>, vector<16xf32>,
    %mul3A_707 = arith.mulf %get3A_704, %get3A_706 : vector<16xf32>
    %add3A_708 = arith.addf %add3A_702, %mul3A_707 : vector<16xf32>
    %swap3A_709 = arith.constant 64 : index
    %swap3A_710 = tpu.vector_load %arg19[%swap3A_709] {strides = array<i32>} : memref<512xf32, #tpu.memory_space<vmem>>, vector<16xf32>,
    tpu.vector_store %arg19[%swap3A_709], %add3A_708 {strides = array<i32>} : memref<512xf32, #tpu.memory_space<vmem>>, vector<16xf32>,
    %get3A_711 = arith.constant 80 : index
    %get3A_712 = tpu.vector_load %arg14[%get3A_711] {strides = array<i32>} : memref<512xf32, #tpu.memory_space<vmem>>, vector<16xf32>,
    %add3A_713 = arith.addf %get3A_640, %get3A_712 : vector<16xf32>
    %get3A_714 = arith.constant 80 : index
    %get3A_715 = tpu.vector_load %arg15[%get3A_714] {strides = array<i32>} : memref<512xf32, #tpu.memory_space<vmem>>, vector<16xf32>,
    %add3A_716 = arith.addf %add3A_713, %get3A_715 : vector<16xf32>
    %get3A_717 = arith.constant 80 : index
    %get3A_718 = tpu.vector_load %arg16[%get3A_717] {strides = array<i32>} : memref<512xf32, #tpu.memory_space<vmem>>, vector<16xf32>,
    %get3A_719 = arith.constant 80 : index
    %get3A_720 = tpu.vector_load %arg17[%get3A_719] {strides = array<i32>} : memref<512xf32, #tpu.memory_space<vmem>>, vector<16xf32>,
    %mul3A_721 = arith.mulf %get3A_718, %get3A_720 : vector<16xf32>
    %add3A_722 = arith.addf %add3A_716, %mul3A_721 : vector<16xf32>
    %swap3A_723 = arith.constant 80 : index
    %swap3A_724 = tpu.vector_load %arg19[%swap3A_723] {strides = array<i32>} : memref<512xf32, #tpu.memory_space<vmem>>, vector<16xf32>,
    tpu.vector_store %arg19[%swap3A_723], %add3A_722 {strides = array<i32>} : memref<512xf32, #tpu.memory_space<vmem>>, vector<16xf32>,
    %get3A_725 = arith.constant 96 : index
    %get3A_726 = tpu.vector_load %arg14[%get3A_725] {strides = array<i32>} : memref<512xf32, #tpu.memory_space<vmem>>, vector<16xf32>,
    %add3A_727 = arith.addf %get3A_640, %get3A_726 : vector<16xf32>
    %get3A_728 = arith.constant 96 : index
    %get3A_729 = tpu.vector_load %arg15[%get3A_728] {strides = array<i32>} : memref<512xf32, #tpu.memory_space<vmem>>, vector<16xf32>,
    %add3A_730 = arith.addf %add3A_727, %get3A_729 : vector<16xf32>
    %get3A_731 = arith.constant 96 : index
    %get3A_732 = tpu.vector_load %arg16[%get3A_731] {strides = array<i32>} : memref<512xf32, #tpu.memory_space<vmem>>, vector<16xf32>,
    %get3A_733 = arith.constant 96 : index
    %get3A_734 = tpu.vector_load %arg17[%get3A_733] {strides = array<i32>} : memref<512xf32, #tpu.memory_space<vmem>>, vector<16xf32>,
    %mul3A_735 = arith.mulf %get3A_732, %get3A_734 : vector<16xf32>
    %add3A_736 = arith.addf %add3A_730, %mul3A_735 : vector<16xf32>
    %swap3A_737 = arith.constant 96 : index
    %swap3A_738 = tpu.vector_load %arg19[%swap3A_737] {strides = array<i32>} : memref<512xf32, #tpu.memory_space<vmem>>, vector<16xf32>,
    tpu.vector_store %arg19[%swap3A_737], %add3A_736 {strides = array<i32>} : memref<512xf32, #tpu.memory_space<vmem>>, vector<16xf32>,
    %get3A_739 = arith.constant 112 : index
    %get3A_740 = tpu.vector_load %arg14[%get3A_739] {strides = array<i32>} : memref<512xf32, #tpu.memory_space<vmem>>, vector<16xf32>,
    %add3A_741 = arith.addf %get3A_640, %get3A_740 : vector<16xf32>
    %get3A_742 = arith.constant 112 : index
    %get3A_743 = tpu.vector_load %arg15[%get3A_742] {strides = array<i32>} : memref<512xf32, #tpu.memory_space<vmem>>, vector<16xf32>,
    %add3A_744 = arith.addf %add3A_741, %get3A_743 : vector<16xf32>
    %get3A_745 = arith.constant 112 : index
    %get3A_746 = tpu.vector_load %arg16[%get3A_745] {strides = array<i32>} : memref<512xf32, #tpu.memory_space<vmem>>, vector<16xf32>,
    %get3A_747 = arith.constant 112 : index
    %get3A_748 = tpu.vector_load %arg17[%get3A_747] {strides = array<i32>} : memref<512xf32, #tpu.memory_space<vmem>>, vector<16xf32>,
    %mul3A_749 = arith.mulf %get3A_746, %get3A_748 : vector<16xf32>
    %add3A_750 = arith.addf %add3A_744, %mul3A_749 : vector<16xf32>
    %swap3A_751 = arith.constant 112 : index
    %swap3A_752 = tpu.vector_load %arg19[%swap3A_751] {strides = array<i32>} : memref<512xf32, #tpu.memory_space<vmem>>, vector<16xf32>,
    tpu.vector_store %arg19[%swap3A_751], %add3A_750 {strides = array<i32>} : memref<512xf32, #tpu.memory_space<vmem>>, vector<16xf32>,
    %get3A_753 = arith.constant 128 : index
    %get3A_754 = tpu.vector_load %arg14[%get3A_753] {strides = array<i32>} : memref<512xf32, #tpu.memory_space<vmem>>, vector<16xf32>,
    %add3A_755 = arith.addf %get3A_640, %get3A_754 : vector<16xf32>
    %get3A_756 = arith.constant 128 : index
    %get3A_757 = tpu.vector_load %arg15[%get3A_756] {strides = array<i32>} : memref<512xf32, #tpu.memory_space<vmem>>, vector<16xf32>,
    %add3A_758 = arith.addf %add3A_755, %get3A_757 : vector<16xf32>
    %get3A_759 = arith.constant 128 : index
    %get3A_760 = tpu.vector_load %arg16[%get3A_759] {strides = array<i32>} : memref<512xf32, #tpu.memory_space<vmem>>, vector<16xf32>,
    %get3A_761 = arith.constant 128 : index
    %get3A_762 = tpu.vector_load %arg17[%get3A_761] {strides = array<i32>} : memref<512xf32, #tpu.memory_space<vmem>>, vector<16xf32>,
    %mul3A_763 = arith.mulf %get3A_760, %get3A_762 : vector<16xf32>
    %add3A_764 = arith.addf %add3A_758, %mul3A_763 : vector<16xf32>
    %swap3A_765 = arith.constant 128 : index
    %swap3A_766 = tpu.vector_load %arg19[%swap3A_765] {strides = array<i32>} : memref<512xf32, #tpu.memory_space<vmem>>, vector<16xf32>,
    tpu.vector_store %arg19[%swap3A_765], %add3A_764 {strides = array<i32>} : memref<512xf32, #tpu.memory_space<vmem>>, vector<16xf32>,
    %get3A_767 = arith.constant 144 : index
    %get3A_768 = tpu.vector_load %arg14[%get3A_767] {strides = array<i32>} : memref<512xf32, #tpu.memory_space<vmem>>, vector<16xf32>,
    %add3A_769 = arith.addf %get3A_640, %get3A_768 : vector<16xf32>
    %get3A_770 = arith.constant 144 : index
    %get3A_771 = tpu.vector_load %arg15[%get3A_770] {strides = array<i32>} : memref<512xf32, #tpu.memory_space<vmem>>, vector<16xf32>,
    %add3A_772 = arith.addf %add3A_769, %get3A_771 : vector<16xf32>
    %get3A_773 = arith.constant 144 : index
    %get3A_774 = tpu.vector_load %arg16[%get3A_773] {strides = array<i32>} : memref<512xf32, #tpu.memory_space<vmem>>, vector<16xf32>,
    %get3A_775 = arith.constant 144 : index
    %get3A_776 = tpu.vector_load %arg17[%get3A_775] {strides = array<i32>} : memref<512xf32, #tpu.memory_space<vmem>>, vector<16xf32>,
    %mul3A_777 = arith.mulf %get3A_774, %get3A_776 : vector<16xf32>
    %add3A_778 = arith.addf %add3A_772, %mul3A_777 : vector<16xf32>
    %swap3A_779 = arith.constant 144 : index
    %swap3A_780 = tpu.vector_load %arg19[%swap3A_779] {strides = array<i32>} : memref<512xf32, #tpu.memory_space<vmem>>, vector<16xf32>,
    tpu.vector_store %arg19[%swap3A_779], %add3A_778 {strides = array<i32>} : memref<512xf32, #tpu.memory_space<vmem>>, vector<16xf32>,
    %get3A_781 = arith.constant 160 : index
    %get3A_782 = tpu.vector_load %arg14[%get3A_781] {strides = array<i32>} : memref<512xf32, #tpu.memory_space<vmem>>, vector<16xf32>,
    %add3A_783 = arith.addf %get3A_640, %get3A_782 : vector<16xf32>
    %get3A_784 = arith.constant 160 : index
    %get3A_785 = tpu.vector_load %arg15[%get3A_784] {strides = array<i32>} : memref<512xf32, #tpu.memory_space<vmem>>, vector<16xf32>,
    %add3A_786 = arith.addf %add3A_783, %get3A_785 : vector<16xf32>
    %get3A_787 = arith.constant 160 : index
    %get3A_788 = tpu.vector_load %arg16[%get3A_787] {strides = array<i32>} : memref<512xf32, #tpu.memory_space<vmem>>, vector<16xf32>,
    %get3A_789 = arith.constant 160 : index
    %get3A_790 = tpu.vector_load %arg17[%get3A_789] {strides = array<i32>} : memref<512xf32, #tpu.memory_space<vmem>>, vector<16xf32>,
    %mul3A_791 = arith.mulf %get3A_788, %get3A_790 : vector<16xf32>
    %add3A_792 = arith.addf %add3A_786, %mul3A_791 : vector<16xf32>
    %swap3A_793 = arith.constant 160 : index
    %swap3A_794 = tpu.vector_load %arg19[%swap3A_793] {strides = array<i32>} : memref<512xf32, #tpu.memory_space<vmem>>, vector<16xf32>,
    tpu.vector_store %arg19[%swap3A_793], %add3A_792 {strides = array<i32>} : memref<512xf32, #tpu.memory_space<vmem>>, vector<16xf32>,
    %get3A_795 = arith.constant 176 : index
    %get3A_796 = tpu.vector_load %arg14[%get3A_795] {strides = array<i32>} : memref<512xf32, #tpu.memory_space<vmem>>, vector<16xf32>,
    %add3A_797 = arith.addf %get3A_640, %get3A_796 : vector<16xf32>
    %get3A_798 = arith.constant 176 : index
    %get3A_799 = tpu.vector_load %arg15[%get3A_798] {strides = array<i32>} : memref<512xf32, #tpu.memory_space<vmem>>, vector<16xf32>,
    %add3A_800 = arith.addf %add3A_797, %get3A_799 : vector<16xf32>
    %get3A_801 = arith.constant 176 : index
    %get3A_802 = tpu.vector_load %arg16[%get3A_801] {strides = array<i32>} : memref<512xf32, #tpu.memory_space<vmem>>, vector<16xf32>,
    %get3A_803 = arith.constant 176 : index
    %get3A_804 = tpu.vector_load %arg17[%get3A_803] {strides = array<i32>} : memref<512xf32, #tpu.memory_space<vmem>>, vector<16xf32>,
    %mul3A_805 = arith.mulf %get3A_802, %get3A_804 : vector<16xf32>
    %add3A_806 = arith.addf %add3A_800, %mul3A_805 : vector<16xf32>
    %swap3A_807 = arith.constant 176 : index
    %swap3A_808 = tpu.vector_load %arg19[%swap3A_807] {strides = array<i32>} : memref<512xf32, #tpu.memory_space<vmem>>, vector<16xf32>,
    tpu.vector_store %arg19[%swap3A_807], %add3A_806 {strides = array<i32>} : memref<512xf32, #tpu.memory_space<vmem>>, vector<16xf32>,
    %get3A_809 = arith.constant 192 : index
    %get3A_810 = tpu.vector_load %arg14[%get3A_809] {strides = array<i32>} : memref<512xf32, #tpu.memory_space<vmem>>, vector<16xf32>,
    %add3A_811 = arith.addf %get3A_640, %get3A_810 : vector<16xf32>
    %get3A_812 = arith.constant 192 : index
    %get3A_813 = tpu.vector_load %arg15[%get3A_812] {strides = array<i32>} : memref<512xf32, #tpu.memory_space<vmem>>, vector<16xf32>,
    %add3A_814 = arith.addf %add3A_811, %get3A_813 : vector<16xf32>
    %get3A_815 = arith.constant 192 : index
    %get3A_816 = tpu.vector_load %arg16[%get3A_815] {strides = array<i32>} : memref<512xf32, #tpu.memory_space<vmem>>, vector<16xf32>,
    %get3A_817 = arith.constant 192 : index
    %get3A_818 = tpu.vector_load %arg17[%get3A_817] {strides = array<i32>} : memref<512xf32, #tpu.memory_space<vmem>>, vector<16xf32>,
    %mul3A_819 = arith.mulf %get3A_816, %get3A_818 : vector<16xf32>
    %add3A_820 = arith.addf %add3A_814, %mul3A_819 : vector<16xf32>
    %swap3A_821 = arith.constant 192 : index
    %swap3A_822 = tpu.vector_load %arg19[%swap3A_821] {strides = array<i32>} : memref<512xf32, #tpu.memory_space<vmem>>, vector<16xf32>,
    tpu.vector_store %arg19[%swap3A_821], %add3A_820 {strides = array<i32>} : memref<512xf32, #tpu.memory_space<vmem>>, vector<16xf32>,
    %get3A_823 = arith.constant 208 : index
    %get3A_824 = tpu.vector_load %arg14[%get3A_823] {strides = array<i32>} : memref<512xf32, #tpu.memory_space<vmem>>, vector<16xf32>,
    %add3A_825 = arith.addf %get3A_640, %get3A_824 : vector<16xf32>
    %get3A_826 = arith.constant 208 : index
    %get3A_827 = tpu.vector_load %arg15[%get3A_826] {strides = array<i32>} : memref<512xf32, #tpu.memory_space<vmem>>, vector<16xf32>,
    %add3A_828 = arith.addf %add3A_825, %get3A_827 : vector<16xf32>
    %get3A_829 = arith.constant 208 : index
    %get3A_830 = tpu.vector_load %arg16[%get3A_829] {strides = array<i32>} : memref<512xf32, #tpu.memory_space<vmem>>, vector<16xf32>,
    %get3A_831 = arith.constant 208 : index
    %get3A_832 = tpu.vector_load %arg17[%get3A_831] {strides = array<i32>} : memref<512xf32, #tpu.memory_space<vmem>>, vector<16xf32>,
    %mul3A_833 = arith.mulf %get3A_830, %get3A_832 : vector<16xf32>
    %add3A_834 = arith.addf %add3A_828, %mul3A_833 : vector<16xf32>
    %swap3A_835 = arith.constant 208 : index
    %swap3A_836 = tpu.vector_load %arg19[%swap3A_835] {strides = array<i32>} : memref<512xf32, #tpu.memory_space<vmem>>, vector<16xf32>,
    tpu.vector_store %arg19[%swap3A_835], %add3A_834 {strides = array<i32>} : memref<512xf32, #tpu.memory_space<vmem>>, vector<16xf32>,
    %get3A_837 = arith.constant 224 : index
    %get3A_838 = tpu.vector_load %arg14[%get3A_837] {strides = array<i32>} : memref<512xf32, #tpu.memory_space<vmem>>, vector<16xf32>,
    %add3A_839 = arith.addf %get3A_640, %get3A_838 : vector<16xf32>
    %get3A_840 = arith.constant 224 : index
    %get3A_841 = tpu.vector_load %arg15[%get3A_840] {strides = array<i32>} : memref<512xf32, #tpu.memory_space<vmem>>, vector<16xf32>,
    %add3A_842 = arith.addf %add3A_839, %get3A_841 : vector<16xf32>
    %get3A_843 = arith.constant 224 : index
    %get3A_844 = tpu.vector_load %arg16[%get3A_843] {strides = array<i32>} : memref<512xf32, #tpu.memory_space<vmem>>, vector<16xf32>,
    %get3A_845 = arith.constant 224 : index
    %get3A_846 = tpu.vector_load %arg17[%get3A_845] {strides = array<i32>} : memref<512xf32, #tpu.memory_space<vmem>>, vector<16xf32>,
    %mul3A_847 = arith.mulf %get3A_844, %get3A_846 : vector<16xf32>
    %add3A_848 = arith.addf %add3A_842, %mul3A_847 : vector<16xf32>
    %swap3A_849 = arith.constant 224 : index
    %swap3A_850 = tpu.vector_load %arg19[%swap3A_849] {strides = array<i32>} : memref<512xf32, #tpu.memory_space<vmem>>, vector<16xf32>,
    tpu.vector_store %arg19[%swap3A_849], %add3A_848 {strides = array<i32>} : memref<512xf32, #tpu.memory_space<vmem>>, vector<16xf32>,
    %get3A_851 = arith.constant 240 : index
    %get3A_852 = tpu.vector_load %arg14[%get3A_851] {strides = array<i32>} : memref<512xf32, #tpu.memory_space<vmem>>, vector<16xf32>,
    %add3A_853 = arith.addf %get3A_640, %get3A_852 : vector<16xf32>
    %get3A_854 = arith.constant 240 : index
    %get3A_855 = tpu.vector_load %arg15[%get3A_854] {strides = array<i32>} : memref<512xf32, #tpu.memory_space<vmem>>, vector<16xf32>,
    %add3A_856 = arith.addf %add3A_853, %get3A_855 : vector<16xf32>
    %get3A_857 = arith.constant 240 : index
    %get3A_858 = tpu.vector_load %arg16[%get3A_857] {strides = array<i32>} : memref<512xf32, #tpu.memory_space<vmem>>, vector<16xf32>,
    %get3A_859 = arith.constant 240 : index
    %get3A_860 = tpu.vector_load %arg17[%get3A_859] {strides = array<i32>} : memref<512xf32, #tpu.memory_space<vmem>>, vector<16xf32>,
    %mul3A_861 = arith.mulf %get3A_858, %get3A_860 : vector<16xf32>
    %add3A_862 = arith.addf %add3A_856, %mul3A_861 : vector<16xf32>
    %swap3A_863 = arith.constant 240 : index
    %swap3A_864 = tpu.vector_load %arg19[%swap3A_863] {strides = array<i32>} : memref<512xf32, #tpu.memory_space<vmem>>, vector<16xf32>,
    tpu.vector_store %arg19[%swap3A_863], %add3A_862 {strides = array<i32>} : memref<512xf32, #tpu.memory_space<vmem>>, vector<16xf32>,
    %get3A_865 = arith.constant 256 : index
    %get3A_866 = tpu.vector_load %arg14[%get3A_865] {strides = array<i32>} : memref<512xf32, #tpu.memory_space<vmem>>, vector<16xf32>,
    %add3A_867 = arith.addf %get3A_640, %get3A_866 : vector<16xf32>
    %get3A_868 = arith.constant 256 : index
    %get3A_869 = tpu.vector_load %arg15[%get3A_868] {strides = array<i32>} : memref<512xf32, #tpu.memory_space<vmem>>, vector<16xf32>,
    %add3A_870 = arith.addf %add3A_867, %get3A_869 : vector<16xf32>
    %get3A_871 = arith.constant 256 : index
    %get3A_872 = tpu.vector_load %arg16[%get3A_871] {strides = array<i32>} : memref<512xf32, #tpu.memory_space<vmem>>, vector<16xf32>,
    %get3A_873 = arith.constant 256 : index
    %get3A_874 = tpu.vector_load %arg17[%get3A_873] {strides = array<i32>} : memref<512xf32, #tpu.memory_space<vmem>>, vector<16xf32>,
    %mul3A_875 = arith.mulf %get3A_872, %get3A_874 : vector<16xf32>
    %add3A_876 = arith.addf %add3A_870, %mul3A_875 : vector<16xf32>
    %swap3A_877 = arith.constant 256 : index
    %swap3A_878 = tpu.vector_load %arg19[%swap3A_877] {strides = array<i32>} : memref<512xf32, #tpu.memory_space<vmem>>, vector<16xf32>,
    tpu.vector_store %arg19[%swap3A_877], %add3A_876 {strides = array<i32>} : memref<512xf32, #tpu.memory_space<vmem>>, vector<16xf32>,
    %get3A_879 = arith.constant 272 : index
    %get3A_880 = tpu.vector_load %arg14[%get3A_879] {strides = array<i32>} : memref<512xf32, #tpu.memory_space<vmem>>, vector<16xf32>,
    %add3A_881 = arith.addf %get3A_640, %get3A_880 : vector<16xf32>
    %get3A_882 = arith.constant 272 : index
    %get3A_883 = tpu.vector_load %arg15[%get3A_882] {strides = array<i32>} : memref<512xf32, #tpu.memory_space<vmem>>, vector<16xf32>,
    %add3A_884 = arith.addf %add3A_881, %get3A_883 : vector<16xf32>
    %get3A_885 = arith.constant 272 : index
    %get3A_886 = tpu.vector_load %arg16[%get3A_885] {strides = array<i32>} : memref<512xf32, #tpu.memory_space<vmem>>, vector<16xf32>,
    %get3A_887 = arith.constant 272 : index
    %get3A_888 = tpu.vector_load %arg17[%get3A_887] {strides = array<i32>} : memref<512xf32, #tpu.memory_space<vmem>>, vector<16xf32>,
    %mul3A_889 = arith.mulf %get3A_886, %get3A_888 : vector<16xf32>
    %add3A_890 = arith.addf %add3A_884, %mul3A_889 : vector<16xf32>
    %swap3A_891 = arith.constant 272 : index
    %swap3A_892 = tpu.vector_load %arg19[%swap3A_891] {strides = array<i32>} : memref<512xf32, #tpu.memory_space<vmem>>, vector<16xf32>,
    tpu.vector_store %arg19[%swap3A_891], %add3A_890 {strides = array<i32>} : memref<512xf32, #tpu.memory_space<vmem>>, vector<16xf32>,
    %get3A_893 = arith.constant 288 : index
    %get3A_894 = tpu.vector_load %arg14[%get3A_893] {strides = array<i32>} : memref<512xf32, #tpu.memory_space<vmem>>, vector<16xf32>,
    %add3A_895 = arith.addf %get3A_640, %get3A_894 : vector<16xf32>
    %get3A_896 = arith.constant 288 : index
    %get3A_897 = tpu.vector_load %arg15[%get3A_896] {strides = array<i32>} : memref<512xf32, #tpu.memory_space<vmem>>, vector<16xf32>,
    %add3A_898 = arith.addf %add3A_895, %get3A_897 : vector<16xf32>
    %get3A_899 = arith.constant 288 : index
    %get3A_900 = tpu.vector_load %arg16[%get3A_899] {strides = array<i32>} : memref<512xf32, #tpu.memory_space<vmem>>, vector<16xf32>,
    %get3A_901 = arith.constant 288 : index
    %get3A_902 = tpu.vector_load %arg17[%get3A_901] {strides = array<i32>} : memref<512xf32, #tpu.memory_space<vmem>>, vector<16xf32>,
    %mul3A_903 = arith.mulf %get3A_900, %get3A_902 : vector<16xf32>
    %add3A_904 = arith.addf %add3A_898, %mul3A_903 : vector<16xf32>
    %swap3A_905 = arith.constant 288 : index
    %swap3A_906 = tpu.vector_load %arg19[%swap3A_905] {strides = array<i32>} : memref<512xf32, #tpu.memory_space<vmem>>, vector<16xf32>,
    tpu.vector_store %arg19[%swap3A_905], %add3A_904 {strides = array<i32>} : memref<512xf32, #tpu.memory_space<vmem>>, vector<16xf32>,
    %get3A_907 = arith.constant 304 : index
    %get3A_908 = tpu.vector_load %arg14[%get3A_907] {strides = array<i32>} : memref<512xf32, #tpu.memory_space<vmem>>, vector<16xf32>,
    %add3A_909 = arith.addf %get3A_640, %get3A_908 : vector<16xf32>
    %get3A_910 = arith.constant 304 : index
    %get3A_911 = tpu.vector_load %arg15[%get3A_910] {strides = array<i32>} : memref<512xf32, #tpu.memory_space<vmem>>, vector<16xf32>,
    %add3A_912 = arith.addf %add3A_909, %get3A_911 : vector<16xf32>
    %get3A_913 = arith.constant 304 : index
    %get3A_914 = tpu.vector_load %arg16[%get3A_913] {strides = array<i32>} : memref<512xf32, #tpu.memory_space<vmem>>, vector<16xf32>,
    %get3A_915 = arith.constant 304 : index
    %get3A_916 = tpu.vector_load %arg17[%get3A_915] {strides = array<i32>} : memref<512xf32, #tpu.memory_space<vmem>>, vector<16xf32>,
    %mul3A_917 = arith.mulf %get3A_914, %get3A_916 : vector<16xf32>
    %add3A_918 = arith.addf %add3A_912, %mul3A_917 : vector<16xf32>
    %swap3A_919 = arith.constant 304 : index
    %swap3A_920 = tpu.vector_load %arg19[%swap3A_919] {strides = array<i32>} : memref<512xf32, #tpu.memory_space<vmem>>, vector<16xf32>,
    tpu.vector_store %arg19[%swap3A_919], %add3A_918 {strides = array<i32>} : memref<512xf32, #tpu.memory_space<vmem>>, vector<16xf32>,
    %get3A_921 = arith.constant 320 : index
    %get3A_922 = tpu.vector_load %arg14[%get3A_921] {strides = array<i32>} : memref<512xf32, #tpu.memory_space<vmem>>, vector<16xf32>,
    %add3A_923 = arith.addf %get3A_640, %get3A_922 : vector<16xf32>
    %get3A_924 = arith.constant 320 : index
    %get3A_925 = tpu.vector_load %arg15[%get3A_924] {strides = array<i32>} : memref<512xf32, #tpu.memory_space<vmem>>, vector<16xf32>,
    %add3A_926 = arith.addf %add3A_923, %get3A_925 : vector<16xf32>
    %get3A_927 = arith.constant 320 : index
    %get3A_928 = tpu.vector_load %arg16[%get3A_927] {strides = array<i32>} : memref<512xf32, #tpu.memory_space<vmem>>, vector<16xf32>,
    %get3A_929 = arith.constant 320 : index
    %get3A_930 = tpu.vector_load %arg17[%get3A_929] {strides = array<i32>} : memref<512xf32, #tpu.memory_space<vmem>>, vector<16xf32>,
    %mul3A_931 = arith.mulf %get3A_928, %get3A_930 : vector<16xf32>
    %add3A_932 = arith.addf %add3A_926, %mul3A_931 : vector<16xf32>
    %swap3A_933 = arith.constant 320 : index
    %swap3A_934 = tpu.vector_load %arg19[%swap3A_933] {strides = array<i32>} : memref<512xf32, #tpu.memory_space<vmem>>, vector<16xf32>,
    tpu.vector_store %arg19[%swap3A_933], %add3A_932 {strides = array<i32>} : memref<512xf32, #tpu.memory_space<vmem>>, vector<16xf32>,
    %get3A_935 = arith.constant 336 : index
    %get3A_936 = tpu.vector_load %arg14[%get3A_935] {strides = array<i32>} : memref<512xf32, #tpu.memory_space<vmem>>, vector<16xf32>,
    %add3A_937 = arith.addf %get3A_640, %get3A_936 : vector<16xf32>
    %get3A_938 = arith.constant 336 : index
    %get3A_939 = tpu.vector_load %arg15[%get3A_938] {strides = array<i32>} : memref<512xf32, #tpu.memory_space<vmem>>, vector<16xf32>,
    %add3A_940 = arith.addf %add3A_937, %get3A_939 : vector<16xf32>
    %get3A_941 = arith.constant 336 : index
    %get3A_942 = tpu.vector_load %arg16[%get3A_941] {strides = array<i32>} : memref<512xf32, #tpu.memory_space<vmem>>, vector<16xf32>,
    %get3A_943 = arith.constant 336 : index
    %get3A_944 = tpu.vector_load %arg17[%get3A_943] {strides = array<i32>} : memref<512xf32, #tpu.memory_space<vmem>>, vector<16xf32>,
    %mul3A_945 = arith.mulf %get3A_942, %get3A_944 : vector<16xf32>
    %add3A_946 = arith.addf %add3A_940, %mul3A_945 : vector<16xf32>
    %swap3A_947 = arith.constant 336 : index
    %swap3A_948 = tpu.vector_load %arg19[%swap3A_947] {strides = array<i32>} : memref<512xf32, #tpu.memory_space<vmem>>, vector<16xf32>,
    tpu.vector_store %arg19[%swap3A_947], %add3A_946 {strides = array<i32>} : memref<512xf32, #tpu.memory_space<vmem>>, vector<16xf32>,
    %get3A_949 = arith.constant 352 : index
    %get3A_950 = tpu.vector_load %arg14[%get3A_949] {strides = array<i32>} : memref<512xf32, #tpu.memory_space<vmem>>, vector<16xf32>,
    %add3A_951 = arith.addf %get3A_640, %get3A_950 : vector<16xf32>
    %get3A_952 = arith.constant 352 : index
    %get3A_953 = tpu.vector_load %arg15[%get3A_952] {strides = array<i32>} : memref<512xf32, #tpu.memory_space<vmem>>, vector<16xf32>,
    %add3A_954 = arith.addf %add3A_951, %get3A_953 : vector<16xf32>
    %get3A_955 = arith.constant 352 : index
    %get3A_956 = tpu.vector_load %arg16[%get3A_955] {strides = array<i32>} : memref<512xf32, #tpu.memory_space<vmem>>, vector<16xf32>,
    %get3A_957 = arith.constant 352 : index
    %get3A_958 = tpu.vector_load %arg17[%get3A_957] {strides = array<i32>} : memref<512xf32, #tpu.memory_space<vmem>>, vector<16xf32>,
    %mul3A_959 = arith.mulf %get3A_956, %get3A_958 : vector<16xf32>
    %add3A_960 = arith.addf %add3A_954, %mul3A_959 : vector<16xf32>
    %swap3A_961 = arith.constant 352 : index
    %swap3A_962 = tpu.vector_load %arg19[%swap3A_961] {strides = array<i32>} : memref<512xf32, #tpu.memory_space<vmem>>, vector<16xf32>,
    tpu.vector_store %arg19[%swap3A_961], %add3A_960 {strides = array<i32>} : memref<512xf32, #tpu.memory_space<vmem>>, vector<16xf32>,
    %get3A_963 = arith.constant 368 : index
    %get3A_964 = tpu.vector_load %arg14[%get3A_963] {strides = array<i32>} : memref<512xf32, #tpu.memory_space<vmem>>, vector<16xf32>,
    %add3A_965 = arith.addf %get3A_640, %get3A_964 : vector<16xf32>
    %get3A_966 = arith.constant 368 : index
    %get3A_967 = tpu.vector_load %arg15[%get3A_966] {strides = array<i32>} : memref<512xf32, #tpu.memory_space<vmem>>, vector<16xf32>,
    %add3A_968 = arith.addf %add3A_965, %get3A_967 : vector<16xf32>
    %get3A_969 = arith.constant 368 : index
    %get3A_970 = tpu.vector_load %arg16[%get3A_969] {strides = array<i32>} : memref<512xf32, #tpu.memory_space<vmem>>, vector<16xf32>,
    %get3A_971 = arith.constant 368 : index
    %get3A_972 = tpu.vector_load %arg17[%get3A_971] {strides = array<i32>} : memref<512xf32, #tpu.memory_space<vmem>>, vector<16xf32>,
    %mul3A_973 = arith.mulf %get3A_970, %get3A_972 : vector<16xf32>
    %add3A_974 = arith.addf %add3A_968, %mul3A_973 : vector<16xf32>
    %swap3A_975 = arith.constant 368 : index
    %swap3A_976 = tpu.vector_load %arg19[%swap3A_975] {strides = array<i32>} : memref<512xf32, #tpu.memory_space<vmem>>, vector<16xf32>,
    tpu.vector_store %arg19[%swap3A_975], %add3A_974 {strides = array<i32>} : memref<512xf32, #tpu.memory_space<vmem>>, vector<16xf32>,
    %get3A_977 = arith.constant 384 : index
    %get3A_978 = tpu.vector_load %arg14[%get3A_977] {strides = array<i32>} : memref<512xf32, #tpu.memory_space<vmem>>, vector<16xf32>,
    %add3A_979 = arith.addf %get3A_640, %get3A_978 : vector<16xf32>
    %get3A_980 = arith.constant 384 : index
    %get3A_981 = tpu.vector_load %arg15[%get3A_980] {strides = array<i32>} : memref<512xf32, #tpu.memory_space<vmem>>, vector<16xf32>,
    %add3A_982 = arith.addf %add3A_979, %get3A_981 : vector<16xf32>
    %get3A_983 = arith.constant 384 : index
    %get3A_984 = tpu.vector_load %arg16[%get3A_983] {strides = array<i32>} : memref<512xf32, #tpu.memory_space<vmem>>, vector<16xf32>,
    %get3A_985 = arith.constant 384 : index
    %get3A_986 = tpu.vector_load %arg17[%get3A_985] {strides = array<i32>} : memref<512xf32, #tpu.memory_space<vmem>>, vector<16xf32>,
    %mul3A_987 = arith.mulf %get3A_984, %get3A_986 : vector<16xf32>
    %add3A_988 = arith.addf %add3A_982, %mul3A_987 : vector<16xf32>
    %swap3A_989 = arith.constant 384 : index
    %swap3A_990 = tpu.vector_load %arg19[%swap3A_989] {strides = array<i32>} : memref<512xf32, #tpu.memory_space<vmem>>, vector<16xf32>,
    tpu.vector_store %arg19[%swap3A_989], %add3A_988 {strides = array<i32>} : memref<512xf32, #tpu.memory_space<vmem>>, vector<16xf32>,
    %get3A_991 = arith.constant 400 : index
    %get3A_992 = tpu.vector_load %arg14[%get3A_991] {strides = array<i32>} : memref<512xf32, #tpu.memory_space<vmem>>, vector<16xf32>,
    %add3A_993 = arith.addf %get3A_640, %get3A_992 : vector<16xf32>
    %get3A_994 = arith.constant 400 : index
    %get3A_995 = tpu.vector_load %arg15[%get3A_994] {strides = array<i32>} : memref<512xf32, #tpu.memory_space<vmem>>, vector<16xf32>,
    %add3A_996 = arith.addf %add3A_993, %get3A_995 : vector<16xf32>
    %get3A_997 = arith.constant 400 : index
    %get3A_998 = tpu.vector_load %arg16[%get3A_997] {strides = array<i32>} : memref<512xf32, #tpu.memory_space<vmem>>, vector<16xf32>,
    %get3A_999 = arith.constant 400 : index
    %get3A_1000 = tpu.vector_load %arg17[%get3A_999] {strides = array<i32>} : memref<512xf32, #tpu.memory_space<vmem>>, vector<16xf32>,
    %mul3A_1001 = arith.mulf %get3A_998, %get3A_1000 : vector<16xf32>
    %add3A_1002 = arith.addf %add3A_996, %mul3A_1001 : vector<16xf32>
    %swap3A_1003 = arith.constant 400 : index
    %swap3A_1004 = tpu.vector_load %arg19[%swap3A_1003] {strides = array<i32>} : memref<512xf32, #tpu.memory_space<vmem>>, vector<16xf32>,
    tpu.vector_store %arg19[%swap3A_1003], %add3A_1002 {strides = array<i32>} : memref<512xf32, #tpu.memory_space<vmem>>, vector<16xf32>,
    %get3A_1005 = arith.constant 416 : index
    %get3A_1006 = tpu.vector_load %arg14[%get3A_1005] {strides = array<i32>} : memref<512xf32, #tpu.memory_space<vmem>>, vector<16xf32>,
    %add3A_1007 = arith.addf %get3A_640, %get3A_1006 : vector<16xf32>
    %get3A_1008 = arith.constant 416 : index
    %get3A_1009 = tpu.vector_load %arg15[%get3A_1008] {strides = array<i32>} : memref<512xf32, #tpu.memory_space<vmem>>, vector<16xf32>,
    %add3A_1010 = arith.addf %add3A_1007, %get3A_1009 : vector<16xf32>
    %get3A_1011 = arith.constant 416 : index
    %get3A_1012 = tpu.vector_load %arg16[%get3A_1011] {strides = array<i32>} : memref<512xf32, #tpu.memory_space<vmem>>, vector<16xf32>,
    %get3A_1013 = arith.constant 416 : index
    %get3A_1014 = tpu.vector_load %arg17[%get3A_1013] {strides = array<i32>} : memref<512xf32, #tpu.memory_space<vmem>>, vector<16xf32>,
    %mul3A_1015 = arith.mulf %get3A_1012, %get3A_1014 : vector<16xf32>
    %add3A_1016 = arith.addf %add3A_1010, %mul3A_1015 : vector<16xf32>
    %swap3A_1017 = arith.constant 416 : index
    %swap3A_1018 = tpu.vector_load %arg19[%swap3A_1017] {strides = array<i32>} : memref<512xf32, #tpu.memory_space<vmem>>, vector<16xf32>,
    tpu.vector_store %arg19[%swap3A_1017], %add3A_1016 {strides = array<i32>} : memref<512xf32, #tpu.memory_space<vmem>>, vector<16xf32>,
    %get3A_1019 = arith.constant 432 : index
    %get3A_1020 = tpu.vector_load %arg14[%get3A_1019] {strides = array<i32>} : memref<512xf32, #tpu.memory_space<vmem>>, vector<16xf32>,
    %add3A_1021 = arith.addf %get3A_640, %get3A_1020 : vector<16xf32>
    %get3A_1022 = arith.constant 432 : index
    %get3A_1023 = tpu.vector_load %arg15[%get3A_1022] {strides = array<i32>} : memref<512xf32, #tpu.memory_space<vmem>>, vector<16xf32>,
    %add3A_1024 = arith.addf %add3A_1021, %get3A_1023 : vector<16xf32>
    %get3A_1025 = arith.constant 432 : index
    %get3A_1026 = tpu.vector_load %arg16[%get3A_1025] {strides = array<i32>} : memref<512xf32, #tpu.memory_space<vmem>>, vector<16xf32>,
    %get3A_1027 = arith.constant 432 : index
    %get3A_1028 = tpu.vector_load %arg17[%get3A_1027] {strides = array<i32>} : memref<512xf32, #tpu.memory_space<vmem>>, vector<16xf32>,
    %mul3A_1029 = arith.mulf %get3A_1026, %get3A_1028 : vector<16xf32>
    %add3A_1030 = arith.addf %add3A_1024, %mul3A_1029 : vector<16xf32>
    %swap3A_1031 = arith.constant 432 : index
    %swap3A_1032 = tpu.vector_load %arg19[%swap3A_1031] {strides = array<i32>} : memref<512xf32, #tpu.memory_space<vmem>>, vector<16xf32>,
    tpu.vector_store %arg19[%swap3A_1031], %add3A_1030 {strides = array<i32>} : memref<512xf32, #tpu.memory_space<vmem>>, vector<16xf32>,
    %get3A_1033 = arith.constant 448 : index
    %get3A_1034 = tpu.vector_load %arg14[%get3A_1033] {strides = array<i32>} : memref<512xf32, #tpu.memory_space<vmem>>, vector<16xf32>,
    %add3A_1035 = arith.addf %get3A_640, %get3A_1034 : vector<16xf32>
    %get3A_1036 = arith.constant 448 : index
    %get3A_1037 = tpu.vector_load %arg15[%get3A_1036] {strides = array<i32>} : memref<512xf32, #tpu.memory_space<vmem>>, vector<16xf32>,
    %add3A_1038 = arith.addf %add3A_1035, %get3A_1037 : vector<16xf32>
    %get3A_1039 = arith.constant 448 : index
    %get3A_1040 = tpu.vector_load %arg16[%get3A_1039] {strides = array<i32>} : memref<512xf32, #tpu.memory_space<vmem>>, vector<16xf32>,
    %get3A_1041 = arith.constant 448 : index
    %get3A_1042 = tpu.vector_load %arg17[%get3A_1041] {strides = array<i32>} : memref<512xf32, #tpu.memory_space<vmem>>, vector<16xf32>,
    %mul3A_1043 = arith.mulf %get3A_1040, %get3A_1042 : vector<16xf32>
    %add3A_1044 = arith.addf %add3A_1038, %mul3A_1043 : vector<16xf32>
    %swap3A_1045 = arith.constant 448 : index
    %swap3A_1046 = tpu.vector_load %arg19[%swap3A_1045] {strides = array<i32>} : memref<512xf32, #tpu.memory_space<vmem>>, vector<16xf32>,
    tpu.vector_store %arg19[%swap3A_1045], %add3A_1044 {strides = array<i32>} : memref<512xf32, #tpu.memory_space<vmem>>, vector<16xf32>,
    %get3A_1047 = arith.constant 464 : index
    %get3A_1048 = tpu.vector_load %arg14[%get3A_1047] {strides = array<i32>} : memref<512xf32, #tpu.memory_space<vmem>>, vector<16xf32>,
    %add3A_1049 = arith.addf %get3A_640, %get3A_1048 : vector<16xf32>
    %get3A_1050 = arith.constant 464 : index
    %get3A_1051 = tpu.vector_load %arg15[%get3A_1050] {strides = array<i32>} : memref<512xf32, #tpu.memory_space<vmem>>, vector<16xf32>,
    %add3A_1052 = arith.addf %add3A_1049, %get3A_1051 : vector<16xf32>
    %get3A_1053 = arith.constant 464 : index
    %get3A_1054 = tpu.vector_load %arg16[%get3A_1053] {strides = array<i32>} : memref<512xf32, #tpu.memory_space<vmem>>, vector<16xf32>,
    %get3A_1055 = arith.constant 464 : index
    %get3A_1056 = tpu.vector_load %arg17[%get3A_1055] {strides = array<i32>} : memref<512xf32, #tpu.memory_space<vmem>>, vector<16xf32>,
    %mul3A_1057 = arith.mulf %get3A_1054, %get3A_1056 : vector<16xf32>
    %add3A_1058 = arith.addf %add3A_1052, %mul3A_1057 : vector<16xf32>
    %swap3A_1059 = arith.constant 464 : index
    %swap3A_1060 = tpu.vector_load %arg19[%swap3A_1059] {strides = array<i32>} : memref<512xf32, #tpu.memory_space<vmem>>, vector<16xf32>,
    tpu.vector_store %arg19[%swap3A_1059], %add3A_1058 {strides = array<i32>} : memref<512xf32, #tpu.memory_space<vmem>>, vector<16xf32>,
    %get3A_1061 = arith.constant 480 : index
    %get3A_1062 = tpu.vector_load %arg14[%get3A_1061] {strides = array<i32>} : memref<512xf32, #tpu.memory_space<vmem>>, vector<16xf32>,
    %add3A_1063 = arith.addf %get3A_640, %get3A_1062 : vector<16xf32>
    %get3A_1064 = arith.constant 480 : index
    %get3A_1065 = tpu.vector_load %arg15[%get3A_1064] {strides = array<i32>} : memref<512xf32, #tpu.memory_space<vmem>>, vector<16xf32>,
    %add3A_1066 = arith.addf %add3A_1063, %get3A_1065 : vector<16xf32>
    %get3A_1067 = arith.constant 480 : index
    %get3A_1068 = tpu.vector_load %arg16[%get3A_1067] {strides = array<i32>} : memref<512xf32, #tpu.memory_space<vmem>>, vector<16xf32>,
    %get3A_1069 = arith.constant 480 : index
    %get3A_1070 = tpu.vector_load %arg17[%get3A_1069] {strides = array<i32>} : memref<512xf32, #tpu.memory_space<vmem>>, vector<16xf32>,
    %mul3A_1071 = arith.mulf %get3A_1068, %get3A_1070 : vector<16xf32>
    %add3A_1072 = arith.addf %add3A_1066, %mul3A_1071 : vector<16xf32>
    %swap3A_1073 = arith.constant 480 : index
    %swap3A_1074 = tpu.vector_load %arg19[%swap3A_1073] {strides = array<i32>} : memref<512xf32, #tpu.memory_space<vmem>>, vector<16xf32>,
    tpu.vector_store %arg19[%swap3A_1073], %add3A_1072 {strides = array<i32>} : memref<512xf32, #tpu.memory_space<vmem>>, vector<16xf32>,
    %get3A_1075 = arith.constant 496 : index
    %get3A_1076 = tpu.vector_load %arg14[%get3A_1075] {strides = array<i32>} : memref<512xf32, #tpu.memory_space<vmem>>, vector<16xf32>,
    %add3A_1077 = arith.addf %get3A_640, %get3A_1076 : vector<16xf32>
    %get3A_1078 = arith.constant 496 : index
    %get3A_1079 = tpu.vector_load %arg15[%get3A_1078] {strides = array<i32>} : memref<512xf32, #tpu.memory_space<vmem>>, vector<16xf32>,
    %add3A_1080 = arith.addf %add3A_1077, %get3A_1079 : vector<16xf32>
    %get3A_1081 = arith.constant 496 : index
    %get3A_1082 = tpu.vector_load %arg16[%get3A_1081] {strides = array<i32>} : memref<512xf32, #tpu.memory_space<vmem>>, vector<16xf32>,
    %get3A_1083 = arith.constant 496 : index
    %get3A_1084 = tpu.vector_load %arg17[%get3A_1083] {strides = array<i32>} : memref<512xf32, #tpu.memory_space<vmem>>, vector<16xf32>,
    %mul3A_1085 = arith.mulf %get3A_1082, %get3A_1084 : vector<16xf32>
    %add3A_1086 = arith.addf %add3A_1080, %mul3A_1085 : vector<16xf32>
    %swap3A_1087 = arith.constant 496 : index
    %swap3A_1088 = tpu.vector_load %arg19[%swap3A_1087] {strides = array<i32>} : memref<512xf32, #tpu.memory_space<vmem>>, vector<16xf32>,
    tpu.vector_store %arg19[%swap3A_1087], %add3A_1086 {strides = array<i32>} : memref<512xf32, #tpu.memory_space<vmem>>, vector<16xf32>,
    "tpu.region"() ({
      %run_scoped3A = tpu.sem_alloc : memref<!tpu.dma_semaphore, #tpu.memory_space<semaphore_mem>>
      %dma_start3A_1089 = tpu.memref_slice %arg9[%mul3A_2] : memref<16384xf32, #tpu.memory_space<hbm>> -> memref<512xf32, #tpu.memory_space<hbm>>
      %dma_start3A_1090 = tpu.memref_slice %arg9[%mul3A_2] : memref<16384xf32, #tpu.memory_space<hbm>> -> memref<512xf32, #tpu.memory_space<hbm>>
      tpu.enqueue_dma source(%arg19 : memref<512xf32, #tpu.memory_space<vmem>>) target(%dma_start3A_1090 : memref<512xf32, #tpu.memory_space<hbm>>) target_semaphore(%run_scoped3A : memref<!tpu.dma_semaphore, #tpu.memory_space<semaphore_mem>>)
      %dma_wait3A_1091 = tpu.memref_slice %arg9[%mul3A_2] : memref<16384xf32, #tpu.memory_space<hbm>> -> memref<512xf32, #tpu.memory_space<hbm>>
      %dma_wait3A_1092 = tpu.memref_slice %arg9[%mul3A_2] : memref<16384xf32, #tpu.memory_space<hbm>> -> memref<512xf32, #tpu.memory_space<hbm>>
      tpu.wait_dma2 semaphore(%run_scoped3A : memref<!tpu.dma_semaphore, #tpu.memory_space<semaphore_mem>>) src(%arg19 : memref<512xf32, #tpu.memory_space<vmem>>) dst(%dma_wait3A_1092 : memref<512xf32, #tpu.memory_space<hbm>>)
      tpu.yield
    }) : () -> ()
    return
  }
}

</mosaic_0001>

<sc_bundles>
// kernel: kernel.3.cloned.1.call-start
scs
__scs_entry_jumppad:
0x0: {  	(pc) =	sbr.rel $0x88, $3  }
0x1: {  	(tag) =	ssettag $0x0;
	lr =	simm.s32 $0x1  }
0x2: {  	[smem:$0x3F9B] =	sst lr;
	_ =	strace $0xD0000000  }
0x3: {  	_ = 	snop  }
0x4: {  	_ = 	snop  }
0x5: {  	_ = 	snop  }
0x6: {  	_ = 	snop  }
0x7: {  	_ = 	snop  }
__scs_overlays_trampoline_lowered:
0x8: {  	[smem:$0x3FAA] =	sst s0  }
0x9: {  	[smem:$0x3FAB] =	sst s1  }
0xa: {  	[smem:$0x3FAC] =	sst s2  }
0xb: {  	[smem:$0x3FAD] =	sst s3  }
0xc: {  	[smem:$0x3FAE] =	sst s4  }
0xd: {  	[smem:$0x3FAF] =	sst s5  }
0xe: {  	[smem:$0x3FB0] =	sst s6  }
0xf: {  	[smem:$0x3FB1] =	sst s7  }
0x10: {  	[smem:$0x3FB2] =	sst s8  }
0x11: {  	[smem:$0x3FB3] =	sst s9;
	s0 =	simm.s32 @!p0 $0x0  }
0x12: {  	s1 =	sld [smem:$0x3F99];
	s0 =	simm.s32 @p0 $0x1  }
0x13: {  	[smem:$0x3FB4] =	sst s0;
	s0 =	simm.s32 @!p1 $0x0  }
0x14: {  	s2 =	sld [smem:$0x3F98];
	s0 =	simm.s32 @p1 $0x1  }
0x15: {  	[smem:$0x3FB5] =	sst s0;
	s0 =	simm.s32 @!p2 $0x0  }
0x16: {  	s3 =	sld [smem:$0x3FDB];
	s0 =	simm.s32 @p2 $0x1  }
0x17: {  	s4 =	simm.s32 $0x1BF5;
	[smem:$0x3FB7] =	sst s0  }
0x18: {  	s0 =	sld [smem:$0x3F9A];
	_ =	swait.ge [sflag:s4], $0x0  }
0x19: {  	s7 =	sld [smem:$0x3F9B]  }
0x1a: {  	s8 =	sadd.s32 $0xFFFFE003, lr  }
0x1b: {  	s9 =	sadd.s32 $0xFFFFFEF7, lr;
	s5 =	simm.s32 $0xFFFFFFFF;
	p2 =	slt.u32 s8, $0xFFFFF086  }
0x1c: {  	p1 =	slt.u32 s9, $0xF7A;
	s5 =	simm.s32 @!p2 $0x0  }
0x1d: {  	s5 =	simm.s32 @p1 $0x1;
	p0 =	seq.s32 s7, s2  }
0x1e: {  	s7 =	smul.u32 @!p0 $0xF7A, s2;
	p2 =	seq.s32 @!p0 s5, $0x0  }
0x1f: {  	s9 =	smul.u32 $0xF7A, s1;
	s8 =	simm.s32 @!p0 $0x1BF5;
	p2 =	por !p2, p0  }
0x20: {  	[sflag:s8] =	ssyncset.s32 @!p0 $0xFFFFF086;
	s6 =	sadd.s32 @!p0 s3, s7;
	s7 =	simm.s32 @!p0 $0x108  }
0x21: {  	s3 =	sadd.s32 s3, s9;
	s6 =	sadd.s32 @!p0 $0x88, s6;
	s7 =	simm.s32 @p2 $0x1082  }
0x22: {  	[simem:s7], [sflag:s8] =	dma.local @!p0 [hbm:s6], $0xF7A  }
0x23: {  	s9 =	sor.u32 $0xD0000000, s2;
	s6 =	simm.s32 $0x108;
	_ =	swait.ge @!p0 [sflag:s8], $0x0  }
0x24: {  	s3 =	sadd.s32 $0x88, s3;
	s6 =	simm.s32 @!p1 $0x1082;
	[sflag:s4] =	ssyncset.s32 $0xFFFFF086  }
0x25: {  	[simem:s6], [sflag:s4] =	dma.local [hbm:s3], $0xF7A  }
0x26: {  	[smem:$0x3F9B] =	sst s1;
	(tag) =	ssettag s2;
	_ =	strace s9  }
0x27: {  	s1 =	sld [smem:$0x3FAB]  }
0x28: {  	s2 =	sld [smem:$0x3FAC]  }
0x29: {  	s4 =	sld [smem:$0x3FAE]  }
0x2a: {  	p0 =	seq.s32 s5, $0x0;
	s5 =	sld [smem:$0x3FAF]  }
0x2b: {  	s6 =	sld [smem:$0x3FB0]  }
0x2c: {  	s7 =	sld [smem:$0x3FB1]  }
0x2d: {  	s3 =	simm.s32 $0x108;
	s8 =	sld [smem:$0x3FB2]  }
0x2e: {  	s3 =	simm.s32 @!p0 $0x1082;
	s9 =	sld [smem:$0x3FB3]  }
0x2f: {  	lr =	sadd.s32 s0, s3;
	s0 =	sld [smem:$0x3FAA]  }
0x30: {  	s3 =	sld [smem:$0x3FAD]  }
0x31: {  	[smem:$0x3FB6] =	sst s10  }
0x32: {  	s10 =	sld [smem:$0x3FB4];
	_ =	sdelay $0x3  }
0x33: {  	p0 =	seq.s32 s10, $0x1;
	s10 =	sld [smem:$0x3FB6];
	_ =	sdelay $0x3  }
0x34: {  	[smem:$0x3FB6] =	sst s10  }
0x35: {  	s10 =	sld [smem:$0x3FB5];
	_ =	sdelay $0x3  }
0x36: {  	p1 =	seq.s32 s10, $0x1;
	s10 =	sld [smem:$0x3FB6];
	_ =	sdelay $0x3  }
0x37: {  	[smem:$0x3FB6] =	sst s10  }
0x38: {  	s10 =	sld [smem:$0x3FB7]  }
0x39: {  	_ = 	snop;
	(pc) =	sbr.ind lr, $3  }
0x3a: {  	_ = 	snop  }
0x3b: {  	_ = 	snop  }
0x3c: {  	p2 =	seq.s32 s10, $0x1;
	s10 =	sld [smem:$0x3FB6]  }
0x3d: {  	_ =	shalt  }
0x3e: {  	_ =	shalt  }
0x3f: {  	_ =	shalt  }
0x40: {  	_ =	shalt  }
0x41: {  	_ =	shalt  }
0x42: {  	_ =	shalt  }
0x43: {  	_ =	shalt  }
0x44: {  	_ =	shalt  }
0x45: {  	_ =	shalt  }
0x46: {  	_ =	shalt  }
0x47: {  	_ =	shalt  }
0x48: {  	_ =	shalt  }
0x49: {  	_ =	shalt  }
0x4a: {  	_ =	shalt  }
0x4b: {  	_ =	shalt  }
0x4c: {  	_ =	shalt  }
0x4d: {  	_ =	shalt  }
0x4e: {  	_ =	shalt  }
0x4f: {  	_ =	shalt  }
0x50: {  	_ =	shalt  }
0x51: {  	_ =	shalt  }
0x52: {  	_ =	shalt  }
0x53: {  	_ =	shalt  }
0x54: {  	_ =	shalt  }
0x55: {  	_ =	shalt  }
0x56: {  	_ =	shalt  }
0x57: {  	_ =	shalt  }
0x58: {  	_ =	shalt  }
0x59: {  	_ =	shalt  }
0x5a: {  	_ =	shalt  }
0x5b: {  	_ =	shalt  }
0x5c: {  	_ =	shalt  }
0x5d: {  	_ =	shalt  }
0x5e: {  	_ =	shalt  }
0x5f: {  	_ =	shalt  }
0x60: {  	_ =	shalt  }
0x61: {  	_ =	shalt  }
0x62: {  	_ =	shalt  }
0x63: {  	_ =	shalt  }
0x64: {  	_ =	shalt  }
0x65: {  	_ =	shalt  }
0x66: {  	_ =	shalt  }
0x67: {  	_ =	shalt  }
0x68: {  	_ =	shalt  }
0x69: {  	_ =	shalt  }
0x6a: {  	_ =	shalt  }
0x6b: {  	_ =	shalt  }
0x6c: {  	_ =	shalt  }
0x6d: {  	_ =	shalt  }
0x6e: {  	_ =	shalt  }
0x6f: {  	_ =	shalt  }
0x70: {  	_ =	shalt  }
0x71: {  	_ =	shalt  }
0x72: {  	_ =	shalt  }
0x73: {  	_ =	shalt  }
0x74: {  	_ =	shalt  }
0x75: {  	_ =	shalt  }
0x76: {  	_ =	shalt  }
0x77: {  	_ =	shalt  }
0x78: {  	_ =	shalt  }
0x79: {  	_ =	shalt  }
0x7a: {  	_ =	shalt  }
0x7b: {  	_ =	shalt  }
0x7c: {  	_ =	shalt  }
0x7d: {  	_ =	shalt  }
0x7e: {  	_ =	shalt  }
0x7f: {  	_ =	shalt  }
0x80: {  	_ =	shalt  }
0x81: {  	_ =	shalt  }
0x82: {  	_ =	shalt  }
0x83: {  	_ =	shalt  }
0x84: {  	_ =	shalt  }
0x85: {  	_ =	shalt  }
0x86: {  	_ =	shalt  }
0x87: {  	_ =	shalt  }
.Lfunc_end0:
.L_simem_size_0:
called_computation_lowered:
.L_overlay_start_0:
0x88: {  	s2 =	sld [smem:$0x3FD9]  }
0x89: {  	s3 =	sld [smem:$0x3FFE];
	_ =	sdelay $0x1  }
0x8a: {  	s1 =	srdreg.scid  }
0x8b: {  	s0 =	sand.u32 $0x1, s1  }
0x8c: {  	s17 =	sshll.u32 s0, $0xA;
	s2 =	sadd.s32 s3, s2  }
0x8d: {  	s2 =	sadd.s32 s2, s17  }
0x8e: {  	[smem:$0x3FC2] =	sst s2  }
0x8f: {  	_ = 	snop  }
0x90: {  	s2 =	sld [smem:$0x3FD0];
	(tm) =	ssettm $0x1  }
0x91: {  	s18 =	sld [smem:$0x3FFB];
	_ =	sdelay $0x3  }
0x92: {  	_ =	strace s18  }
0x93: {  	s3 =	sld [smem:$0x3FFC];
	_ =	sdelay $0x3  }
0x94: {  	_ =	strace s3  }
0x95: {  	s3 =	sld [smem:$0x3FFD];
	_ =	sdelay $0x3  }
0x96: {  	_ =	strace s3  }
0x97: {  	_ =	strace $0x8FFFFFFF  }
0x98: {  	s19 =	sld [smem:$0x3FDB];
	_ =	sdelay $0x1  }
0x99: {  	s4 =	simm.s32 $_scs_section_size  }
0x9a: {  	s5 =	simm.s32 $_size__tile_overlayer_lowered;
	s6 =	simm.s32 $_tile_overlayer_lowered  }
0x9b: {  	s22 =	simm.s32 $0x1BFF;
	s21 =	sshll.u32 s6, $0x1;
	s3 =	sadd.s32 s4, s19  }
0x9c: {  	s7 =	simm.s32 $0x0;
	s20 =	sshll.u32 s5, $0x1;
	s5 =	sadd.s32 s21, s3  }
0x9d: {  	[timem:s7], [sflag:s22] =	dma.local [hbm:s5], s20  }
0x9e: {  	_ =	swait.ge [sflag:s22], s20  }
0x9f: {  	s4 =	ssub.s32 $0x0, s20;
	[sflag:s22] =	ssyncset.done $0x0  }
0xa0: {  	[sflag:s22] =	ssyncadd.s32 s4;
	_ =	sdelay $0x1  }
0xa1: {  	s23 =	simm.s32 $0x1B8B  }
0xa2: {  	_ =	swait.ge [sflag:s23], $0x1  }
0xa3: {  	[sflag:s23] =	ssyncset.done $0x0  }
0xa4: {  	s25 =	simm.s32 $0x1B8E;
	s24 =	sld [smem:$0x3FFE];
	[sflag:s23] =	ssyncadd.s32 $0xFFFFFFFF  }
0xa5: {  	s26 =	simm.s32 $execute0_lowered;
	[smem:$0x3FD2] =	sst s25  }
0xa6: {  	s5 =	sshll.u32 s26, $0x1;
	_ =	strace $0x80000046;
	[dreg:$0x1] =	wrdreg $0xFFFFFFFF  }
0xa7: {  	s28 =	simm.s32 $_size_execute0_lowered;
	s3 =	sadd.s32 s3, s5;
	[dreg:$0x0] =	wrdreg $0x0  }
0xa8: {  	s5 =	sshll.u32 s28, $0x1;
	[dreg:$0x2] =	wrdreg s3  }
0xa9: {  	[dreg:$0x3] =	wrdreg s5  }
0xaa: {  	[dreg:$0x4] =	wrdreg $0xC0  }
0xab: {  	_ =	task [dreg:s7], $0x5FFFF  }
0xac: {  	[dreg:$0x1] =	wrdreg $0xFFFFFFFF  }
0xad: {  	[dreg:$0x0] =	wrdreg $0x60  }
0xae: {  	[dreg:$0x2] =	wrdreg s24  }
0xaf: {  	[dreg:$0x3] =	wrdreg s2  }
0xb0: {  	[dreg:$0x4] =	wrdreg $0x9  }
0xb1: {  	_ =	task.clear_ibuf [dreg:s7], $0x5FFFF;
	_ =	strace $0x90000046  }
0xb2: {  	s29 =	simm.s32 $0x9;
	_ =	strace $0x80000048  }
0xb3: {  	_ =	swait.ge [sflag:s29], $0x1  }
0xb4: {  	[sflag:s29] =	ssyncadd.s32 $0xFFFFFFFF  }
0xb5: {  	_ =	strace $0x90000048  }
0xb6: {  	_ =	sfence  }
0xb7: {  	s30 =	sld [smem:$0x0];
	_ =	sdelay $0x2  }
0xb8: {  	s31 =	sshll.u32 s1, $0xD;
	s1 =	sshrl.u32 s1, $0x2  }
0xb9: {  	s3 =	sand.u32 $0x4000, s31;
	s1 =	sadd.s32 s1, s30  }
0xba: {  	s0 =	sor.u32 s3, s0;
	s1 =	sshll.u32 s1, $0x11  }
0xbb: {  	s0 =	sor.u32 s1, s0  }
0xbc: {  	s0 =	sadd.s32 $0x8F2B, s0  }
0xbd: {  	[sflag:s0] =	ssyncadd.remote.s32 $0x1  }
0xbe: {  	_ =	sfence.sel $0xFFFF  }
0xbf: {  	[dreg:$0x0] =	wrdreg $0xFFFFFFFF;
	(pc) =	sbr.abs _section_cstart, $3  }
0xc0: {  	[dreg:$0x1] =	wrdreg $0xFFFFFFFF  }
0xc1: {  	_ =	task.clear_ibuf [dreg:s7], $0x2FFFF;
	_ =	strace $0x9FFFFFFF  }
0xc2: {  	(tm) =	ssettm $0x7FFFFFFF  }
0xc3: {  	_ =	shalt  }
tec
execute0_lowered:
.L_overlay_start_1:
0x0: {  	(tag) =	ssettag $0x1  }
0x1: {  	s0 =	rddreg [dreg:$0x0]  }
0x2: {  	s7 =	rddreg [dreg:$0x1];
	s2 =	srdreg.scid  }
0x3: {  	s1 =	stileid.u32;
	s21 =	simm.s32 $0x200;
	s22 =	simm.s32 $0x1000  }
0x4: {  	s23 =	simm.s32 $0x800;
	s24 =	simm.s32 $0xA00;
	s25 =	simm.s32 $0xC00  }
0x5: {  	s26 =	simm.s32 $0xE00;
	s12 =	simm.s32 $0x480;
	s14 =	simm.s32 $0x680  }
0x6: {  	s15 =	simm.s32 $0xA80;
	s8 =	sand.u32 $0x1, s2;
	s2 =	simm.s32 $0x0  }
0x7: {  	s28 =	simm.s32 $0xB80;
	s11 =	sadd.s32 $0x7C400, s0;
	[smem:$0x7FF] =	sst s2  }
0x8: {  	s29 =	simm.s32 $0xD80;
	_ =	strace $0x80000047;
	[dreg:$0x3] =	wrdreg s11  }
0x9: {  	s30 =	simm.s32 $0xF80;
	s31 =	simm.s32 $0x1;
	[dreg:$0x7] =	wrdreg s21  }
0xa: {  	s3 =	sshll.u32 s1, $0x7;
	s5 =	sadd.s32 $0x3F000, s0;
	[dreg:$0x8] =	wrdreg s22  }
0xb: {  	s6 =	sadd.s32 $0x5DA00, s0;
	s4 =	sshll.u32 s8, $0x6;
	[dreg:$0x9] =	wrdreg s23  }
0xc: {  	s8 =	ssub.s32 $0x2, s8;
	s9 =	sor.u32 s4, s3;
	[dreg:$0xa] =	wrdreg s24  }
0xd: {  	s3 =	sadd.s32 $0x1C00, s0;
	s4 =	sadd.s32 $0x20600, s0;
	[dreg:$0xb] =	wrdreg s25  }
0xe: {  	s18 =	sshrl.u32 s8, $0x1;
	s11 =	simm.s32 $0x600;
	[dreg:$0xc] =	wrdreg s26  }
0xf: {  	s21 =	simm.s32 $0xB00;
	s22 =	simm.s32 $0xD00;
	s23 =	simm.s32 $0xF00  }
0x10: {  	s24 =	simm.s32 $0x580;
	s25 =	simm.s32 $0x980;
	s26 =	simm.s32 $0x780  }
0x11: {  	s10 =	sadd.s32 s9, s0;
	s19 =	sadd.s32 s7, s9;
	s20 =	ssub.s32 s8, s18  }
0x12: {  	s8 =	simm.s32 $0x2;
	s9 =	simm.s32 $0x80;
	s18 =	simm.s32 $0x500  }
0x13: {  	s0 =	simm.s32 $0x1080;
	s16 =	sadd.s32 $0x1400, s10;
	s17 =	sadd.s32 $0xC00, s10  }
0x14: {  	[dreg:$0x6] =	wrdreg s19;
	s7 =	smax.u32 s20, $0x1;
	s10 =	simm.s32 $0x400  }
0x15: {  	s19 =	simm.s32 $0x900;
	s20 =	simm.s32 $0x700;
	[dreg:$0x4] =	wrdreg s16  }
0x16: {  	[dreg:$0x5] =	wrdreg s17;
	s16 =	simm.s32 $0xC80;
	s17 =	simm.s32 $0xE80  }
.LBB2_1:
0x17: {  	s1 =	rddreg [dreg:$0x4]  }
0x18: {  	[tilespmem:s2], [sflag:$0x2] =	stream.linear.gather [hbm4b:s1+s2], $0x200, $0x38;
	[tilespmem:$0x1280] =	vst v63  }
0x19: {  	_ =	swait.ge [sflag:s8], $0x200  }
0x1a: {  	s1 =	rddreg [dreg:$0x5];
	[sflag:s8] =	ssyncset.done $0x0  }
0x1b: {  	s13 =	rddreg [dreg:$0x7];
	[sflag:s8] =	ssyncadd.s32 $0xFFFFFE00  }
0x1c: {  	[tilespmem:s13], [sflag:$0x2] =	stream.linear.gather [hbm4b:s1+s2], $0x200, $0x38;
	[tilespmem:$0x1280] =	vst v63  }
0x1d: {  	_ =	swait.ge [sflag:s8], $0x200  }
0x1e: {  	s1 =	rddreg [dreg:$0x3];
	[sflag:s8] =	ssyncset.done $0x0  }
0x1f: {  	s13 =	rddreg [dreg:$0x8];
	[sflag:s8] =	ssyncadd.s32 $0xFFFFFE00  }
0x20: {  	[tilespmem:s13], [sflag:$0x2] =	stream.linear.gather [hbm4b:s1+s2], $0x80, $0x38;
	[tilespmem:$0x1280] =	vst v63  }
0x21: {  	_ =	swait.ge [sflag:s8], $0x80  }
0x22: {  	[sflag:s8] =	ssyncset.done $0x0  }
0x23: {  	[sflag:s8] =	ssyncadd.s32 $0xFFFFFF80  }
0x24: {  	v0 =	vld [tilespmem:$0x0]  }
0x25: {  	v1 =	vld [tilespmem:$0x200]  }
0x26: {  	v2 =	vld [tilespmem:$0x10]  }
0x27: {  	v3 =	vld [tilespmem:$0x210]  }
0x28: {  	v4 =	vld [tilespmem:$0x20]  }
0x29: {  	v9 =	vld [tilespmem:$0x220];
	[tilespmem:$0x400] =	vst v0  }
0x2a: {  	v10 =	vld [tilespmem:$0x30];
	[tilespmem:$0x600] =	vst v1  }
0x2b: {  	v11 =	vld [tilespmem:$0x230];
	[tilespmem:$0x410] =	vst v2  }
0x2c: {  	v12 =	vld [tilespmem:$0x40];
	[tilespmem:$0x610] =	vst v3  }
0x2d: {  	v13 =	vld [tilespmem:$0x240];
	[tilespmem:$0x420] =	vst v4  }
0x2e: {  	v14 =	vld [tilespmem:$0x50];
	[tilespmem:$0x620] =	vst v9  }
0x2f: {  	v15 =	vld [tilespmem:$0x250];
	[tilespmem:$0x430] =	vst v10  }
0x30: {  	v16 =	vld [tilespmem:$0x60];
	[tilespmem:$0x630] =	vst v11  }
0x31: {  	v17 =	vld [tilespmem:$0x260];
	[tilespmem:$0x440] =	vst v12  }
0x32: {  	v18 =	vld [tilespmem:$0x70];
	[tilespmem:$0x640] =	vst v13  }
0x33: {  	v19 =	vld [tilespmem:$0x270];
	[tilespmem:$0x450] =	vst v14  }
0x34: {  	v20 =	vld [tilespmem:$0x80];
	[tilespmem:$0x650] =	vst v15  }
0x35: {  	v21 =	vld [tilespmem:$0x280];
	[tilespmem:$0x460] =	vst v16  }
0x36: {  	v22 =	vld [tilespmem:$0x90];
	[tilespmem:$0x660] =	vst v17  }
0x37: {  	v23 =	vld [tilespmem:$0x290];
	[tilespmem:$0x470] =	vst v18  }
0x38: {  	v24 =	vld [tilespmem:$0xA0];
	[tilespmem:$0x670] =	vst v19  }
0x39: {  	v25 =	vld [tilespmem:$0x2A0];
	[tilespmem:$0x480] =	vst v20  }
0x3a: {  	v26 =	vld [tilespmem:$0xB0];
	[tilespmem:$0x680] =	vst v21  }
0x3b: {  	v27 =	vld [tilespmem:$0x2B0];
	[tilespmem:$0x490] =	vst v22  }
0x3c: {  	v28 =	vld [tilespmem:$0xC0];
	[tilespmem:$0x690] =	vst v23  }
0x3d: {  	v29 =	vld [tilespmem:$0x2C0];
	[tilespmem:$0x4A0] =	vst v24  }
0x3e: {  	v30 =	vld [tilespmem:$0xD0];
	[tilespmem:$0x6A0] =	vst v25  }
0x3f: {  	v31 =	vld [tilespmem:$0x2D0];
	[tilespmem:$0x4B0] =	vst v26  }
0x40: {  	v32 =	vld [tilespmem:$0xE0];
	[tilespmem:$0x6B0] =	vst v27  }
0x41: {  	v33 =	vld [tilespmem:$0x2E0];
	[tilespmem:$0x4C0] =	vst v28  }
0x42: {  	v34 =	vld [tilespmem:$0xF0];
	[tilespmem:$0x6C0] =	vst v29  }
0x43: {  	v35 =	vld [tilespmem:$0x2F0];
	[tilespmem:$0x4D0] =	vst v30  }
0x44: {  	v36 =	vld [tilespmem:$0x100];
	[tilespmem:$0x6D0] =	vst v31  }
0x45: {  	v37 =	vld [tilespmem:$0x300];
	[tilespmem:$0x4E0] =	vst v32  }
0x46: {  	v38 =	vld [tilespmem:$0x110];
	[tilespmem:$0x6E0] =	vst v33  }
0x47: {  	v39 =	vld [tilespmem:$0x310];
	[tilespmem:$0x4F0] =	vst v34  }
0x48: {  	v40 =	vld [tilespmem:$0x120];
	[tilespmem:$0x6F0] =	vst v35  }
0x49: {  	v41 =	vld [tilespmem:$0x320];
	[tilespmem:$0x500] =	vst v36  }
0x4a: {  	v42 =	vld [tilespmem:$0x130];
	[tilespmem:$0x700] =	vst v37  }
0x4b: {  	v43 =	vld [tilespmem:$0x330];
	[tilespmem:$0x510] =	vst v38  }
0x4c: {  	v44 =	vld [tilespmem:$0x140];
	[tilespmem:$0x710] =	vst v39  }
0x4d: {  	v45 =	vld [tilespmem:$0x340];
	[tilespmem:$0x520] =	vst v40  }
0x4e: {  	v46 =	vld [tilespmem:$0x150];
	[tilespmem:$0x720] =	vst v41  }
0x4f: {  	v47 =	vld [tilespmem:$0x350];
	[tilespmem:$0x530] =	vst v42  }
0x50: {  	v48 =	vld [tilespmem:$0x160];
	[tilespmem:$0x730] =	vst v43  }
0x51: {  	v49 =	vld [tilespmem:$0x360];
	[tilespmem:$0x540] =	vst v44  }
0x52: {  	v50 =	vld [tilespmem:$0x170];
	[tilespmem:$0x740] =	vst v45  }
0x53: {  	v51 =	vld [tilespmem:$0x370];
	[tilespmem:$0x550] =	vst v46  }
0x54: {  	v52 =	vld [tilespmem:$0x180];
	[tilespmem:$0x750] =	vst v47  }
0x55: {  	v53 =	vld [tilespmem:$0x380];
	[tilespmem:$0x560] =	vst v48  }
0x56: {  	v54 =	vld [tilespmem:$0x190];
	[tilespmem:$0x760] =	vst v49  }
0x57: {  	v55 =	vld [tilespmem:$0x390];
	[tilespmem:$0x570] =	vst v50  }
0x58: {  	v56 =	vld [tilespmem:$0x1A0];
	[tilespmem:$0x770] =	vst v51  }
0x59: {  	v57 =	vld [tilespmem:$0x3A0];
	[tilespmem:$0x580] =	vst v52  }
0x5a: {  	v58 =	vld [tilespmem:$0x1B0];
	[tilespmem:$0x780] =	vst v53  }
0x5b: {  	v59 =	vld [tilespmem:$0x3B0];
	[tilespmem:$0x590] =	vst v54  }
0x5c: {  	v60 =	vld [tilespmem:$0x1C0];
	[tilespmem:$0x790] =	vst v55  }
0x5d: {  	v61 =	vld [tilespmem:$0x3C0];
	[tilespmem:$0x5A0] =	vst v56  }
0x5e: {  	v62 =	vld [tilespmem:$0x1D0];
	[tilespmem:$0x7A0] =	vst v57  }
0x5f: {  	v63 =	vld [tilespmem:$0x3D0];
	[tilespmem:$0x5B0] =	vst v58  }
0x60: {  	v8 =	vld [tilespmem:$0x1E0];
	[tilespmem:$0x7B0] =	vst v59  }
0x61: {  	[tilespmem:$0x5C0] =	vst v60;
	v9 =	vld [tilespmem:$0x3E0]  }
0x62: {  	[tilespmem:$0x7C0] =	vst v61;
	v10 =	vld [tilespmem:$0x1F0]  }
0x63: {  	[tilespmem:$0x5D0] =	vst v62;
	v11 =	vld [tilespmem:$0x3F0]  }
0x64: {  	[tilespmem:$0x7D0] =	vst v63  }
0x65: {  	[tilespmem:$0x5E0] =	vst v8  }
0x66: {  	[tilespmem:$0x7E0] =	vst v9  }
0x67: {  	[tilespmem:$0x5F0] =	vst v10  }
0x68: {  	s1 =	rddreg [dreg:$0x9];
	[tilespmem:$0x7F0] =	vst v11  }
0x69: {  	[tilespmem:s1], [sflag:$0x1] =	stream.indirect.gather [hbm4b:s3+s9], $0x1, s10, s9, $0xb8;
	[tilespmem:$0x1280] =	vst v63  }
0x6a: {  	s13 =	rddreg [dreg:$0xa]  }
0x6b: {  	[tilespmem:s13], [sflag:$0x1] =	stream.indirect.gather [hbm4b:s4+s9], $0x1, s11, s9, $0xb8;
	[tilespmem:$0x1280] =	vst v63  }
0x6c: {  	s1 =	rddreg [dreg:$0xb]  }
0x6d: {  	[tilespmem:s1], [sflag:$0x1] =	stream.indirect.gather [hbm4b:s5+s9], $0x1, s10, s9, $0xb8;
	[tilespmem:$0x1280] =	vst v63  }
0x6e: {  	s13 =	rddreg [dreg:$0xc]  }
0x6f: {  	[tilespmem:s13], [sflag:$0x1] =	stream.indirect.gather [hbm4b:s6+s9], $0x1, s11, s9, $0xb8;
	[tilespmem:$0x1280] =	vst v63  }
0x70: {  	s13 =	simm.s32 $0x880  }
0x71: {  	[tilespmem:s13], [sflag:$0x1] =	stream.indirect.gather [hbm4b:s3+s9], $0x1, s12, s9, $0xb8;
	[tilespmem:$0x1280] =	vst v63  }
0x72: {  	_ = 	snop  }
0x73: {  	[tilespmem:s15], [sflag:$0x1] =	stream.indirect.gather [hbm4b:s4+s9], $0x1, s14, s9, $0xb8;
	[tilespmem:$0x1280] =	vst v63  }
0x74: {  	_ = 	snop  }
0x75: {  	[tilespmem:s16], [sflag:$0x1] =	stream.indirect.gather [hbm4b:s5+s9], $0x1, s12, s9, $0xb8;
	[tilespmem:$0x1280] =	vst v63  }
0x76: {  	_ = 	snop  }
0x77: {  	[tilespmem:s17], [sflag:$0x1] =	stream.indirect.gather [hbm4b:s6+s9], $0x1, s14, s9, $0xb8;
	[tilespmem:$0x1280] =	vst v63  }
0x78: {  	_ = 	snop  }
0x79: {  	[tilespmem:s19], [sflag:$0x1] =	stream.indirect.gather [hbm4b:s3+s9], $0x1, s18, s9, $0xb8;
	[tilespmem:$0x1280] =	vst v63  }
0x7a: {  	_ = 	snop  }
0x7b: {  	[tilespmem:s21], [sflag:$0x1] =	stream.indirect.gather [hbm4b:s4+s9], $0x1, s20, s9, $0xb8;
	[tilespmem:$0x1280] =	vst v63  }
0x7c: {  	_ = 	snop  }
0x7d: {  	[tilespmem:s22], [sflag:$0x1] =	stream.indirect.gather [hbm4b:s5+s9], $0x1, s18, s9, $0xb8;
	[tilespmem:$0x1280] =	vst v63  }
0x7e: {  	_ = 	snop  }
0x7f: {  	[tilespmem:s23], [sflag:$0x1] =	stream.indirect.gather [hbm4b:s6+s9], $0x1, s20, s9, $0xb8;
	[tilespmem:$0x1280] =	vst v63  }
0x80: {  	_ = 	snop  }
0x81: {  	[tilespmem:s25], [sflag:$0x1] =	stream.indirect.gather [hbm4b:s3+s9], $0x1, s24, s9, $0xb8;
	[tilespmem:$0x1280] =	vst v63  }
0x82: {  	_ = 	snop  }
0x83: {  	[tilespmem:s28], [sflag:$0x1] =	stream.indirect.gather [hbm4b:s4+s9], $0x1, s26, s9, $0xb8;
	[tilespmem:$0x1280] =	vst v63  }
0x84: {  	_ = 	snop  }
0x85: {  	[tilespmem:s29], [sflag:$0x1] =	stream.indirect.gather [hbm4b:s5+s9], $0x1, s24, s9, $0xb8;
	[tilespmem:$0x1280] =	vst v63  }
0x86: {  	_ = 	snop  }
0x87: {  	[tilespmem:s30], [sflag:$0x1] =	stream.indirect.gather [hbm4b:s6+s9], $0x1, s26, s9, $0xb8;
	[tilespmem:$0x1280] =	vst v63  }
0x88: {  	_ =	swait.ge [sflag:s31], $0x80  }
0x89: {  	[sflag:s31] =	ssyncset.done $0x0  }
0x8a: {  	[sflag:s31] =	ssyncadd.s32 $0xFFFFFF80  }
0x8b: {  	_ =	swait.ge [sflag:s31], $0x80  }
0x8c: {  	[sflag:s31] =	ssyncset.done $0x0  }
0x8d: {  	[sflag:s31] =	ssyncadd.s32 $0xFFFFFF80  }
0x8e: {  	_ =	swait.ge [sflag:s31], $0x80  }
0x8f: {  	[sflag:s31] =	ssyncset.done $0x0  }
0x90: {  	[sflag:s31] =	ssyncadd.s32 $0xFFFFFF80  }
0x91: {  	_ =	swait.ge [sflag:s31], $0x80  }
0x92: {  	[sflag:s31] =	ssyncset.done $0x0  }
0x93: {  	[sflag:s31] =	ssyncadd.s32 $0xFFFFFF80  }
0x94: {  	_ =	swait.ge [sflag:s31], $0x80  }
0x95: {  	[sflag:s31] =	ssyncset.done $0x0  }
0x96: {  	[sflag:s31] =	ssyncadd.s32 $0xFFFFFF80  }
0x97: {  	_ =	swait.ge [sflag:s31], $0x80  }
0x98: {  	[sflag:s31] =	ssyncset.done $0x0  }
0x99: {  	[sflag:s31] =	ssyncadd.s32 $0xFFFFFF80  }
0x9a: {  	_ =	swait.ge [sflag:s31], $0x80  }
0x9b: {  	[sflag:s31] =	ssyncset.done $0x0  }
0x9c: {  	[sflag:s31] =	ssyncadd.s32 $0xFFFFFF80  }
0x9d: {  	_ =	swait.ge [sflag:s31], $0x80  }
0x9e: {  	[sflag:s31] =	ssyncset.done $0x0  }
0x9f: {  	[sflag:s31] =	ssyncadd.s32 $0xFFFFFF80  }
0xa0: {  	_ =	swait.ge [sflag:s31], $0x80  }
0xa1: {  	[sflag:s31] =	ssyncset.done $0x0  }
0xa2: {  	[sflag:s31] =	ssyncadd.s32 $0xFFFFFF80  }
0xa3: {  	_ =	swait.ge [sflag:s31], $0x80  }
0xa4: {  	[sflag:s31] =	ssyncset.done $0x0  }
0xa5: {  	[sflag:s31] =	ssyncadd.s32 $0xFFFFFF80  }
0xa6: {  	_ =	swait.ge [sflag:s31], $0x80  }
0xa7: {  	[sflag:s31] =	ssyncset.done $0x0  }
0xa8: {  	[sflag:s31] =	ssyncadd.s32 $0xFFFFFF80  }
0xa9: {  	_ =	swait.ge [sflag:s31], $0x80  }
0xaa: {  	[sflag:s31] =	ssyncset.done $0x0  }
0xab: {  	[sflag:s31] =	ssyncadd.s32 $0xFFFFFF80  }
0xac: {  	_ =	swait.ge [sflag:s31], $0x80  }
0xad: {  	[sflag:s31] =	ssyncset.done $0x0  }
0xae: {  	[sflag:s31] =	ssyncadd.s32 $0xFFFFFF80  }
0xaf: {  	_ =	swait.ge [sflag:s31], $0x80  }
0xb0: {  	[sflag:s31] =	ssyncset.done $0x0  }
0xb1: {  	[sflag:s31] =	ssyncadd.s32 $0xFFFFFF80  }
0xb2: {  	_ =	swait.ge [sflag:s31], $0x80  }
0xb3: {  	[sflag:s31] =	ssyncset.done $0x0  }
0xb4: {  	[sflag:s31] =	ssyncadd.s32 $0xFFFFFF80  }
0xb5: {  	_ =	swait.ge [sflag:s31], $0x80  }
0xb6: {  	[sflag:s31] =	ssyncset.done $0x0  }
0xb7: {  	[sflag:s31] =	ssyncadd.s32 $0xFFFFFF80  }
0xb8: {  	v1 =	vld [tilespmem:$0xAF0];
	_ =	sdelay $0x1  }
0xb9: {  	v0 =	vld [tilespmem:$0x1000]  }
0xba: {  	v3 =	vld [tilespmem:$0x800]  }
0xbb: {  	v6 =	vld [tilespmem:$0xA00]  }
0xbc: {  	[tilespmem:$0x1FE80] =	vst v1;
	v1 =	vld [tilespmem:$0xCF0]  }
0xbd: {  	v7 =	vld [tilespmem:$0xC00]  }
0xbe: {  	v8 =	vld [tilespmem:$0xE00]  }
0xbf: {  	v5 =	vld [tilespmem:$0x810]  }
0xc0: {  	v9 =	vld [tilespmem:$0xA10]  }
0xc1: {  	[tilespmem:$0x1FE90] =	vst v1;
	v1 =	vld [tilespmem:$0xEF0]  }
0xc2: {  	v10 =	vld [tilespmem:$0xC10]  }
0xc3: {  	v11 =	vld [tilespmem:$0xE10]  }
0xc4: {  	v12 =	vld [tilespmem:$0x820]  }
0xc5: {  	v13 =	vld [tilespmem:$0xA20]  }
0xc6: {  	[tilespmem:$0x1FEA0] =	vst v1;
	v1 =	vld [tilespmem:$0x900]  }
0xc7: {  	v14 =	vld [tilespmem:$0xC20]  }
0xc8: {  	v15 =	vld [tilespmem:$0xE20]  }
0xc9: {  	v16 =	vld [tilespmem:$0x830]  }
0xca: {  	v17 =	vld [tilespmem:$0xA30]  }
0xcb: {  	[tilespmem:$0x1FEB0] =	vst v1;
	v1 =	vld [tilespmem:$0xB00]  }
0xcc: {  	v18 =	vld [tilespmem:$0xC30]  }
0xcd: {  	v19 =	vld [tilespmem:$0xE30]  }
0xce: {  	v20 =	vld [tilespmem:$0x840]  }
0xcf: {  	v21 =	vld [tilespmem:$0xA40]  }
0xd0: {  	[tilespmem:$0x1FED0] =	vst v1;
	v1 =	vld [tilespmem:$0xD00]  }
0xd1: {  	v22 =	vld [tilespmem:$0xC40]  }
0xd2: {  	v23 =	vld [tilespmem:$0xE40]  }
0xd3: {  	v24 =	vld [tilespmem:$0x850]  }
0xd4: {  	v25 =	vld [tilespmem:$0xA50]  }
0xd5: {  	[tilespmem:$0x1FEE0] =	vst v1;
	v1 =	vld [tilespmem:$0xF00]  }
0xd6: {  	v26 =	vld [tilespmem:$0xC50]  }
0xd7: {  	v27 =	vld [tilespmem:$0xE50]  }
0xd8: {  	v28 =	vld [tilespmem:$0x860]  }
0xd9: {  	v29 =	vld [tilespmem:$0xA60]  }
0xda: {  	[tilespmem:$0x1FEF0] =	vst v1;
	v1 =	vld [tilespmem:$0x910]  }
0xdb: {  	v30 =	vld [tilespmem:$0xC60]  }
0xdc: {  	v31 =	vld [tilespmem:$0xE60]  }
0xdd: {  	v32 =	vld [tilespmem:$0x870]  }
0xde: {  	v33 =	vld [tilespmem:$0xA70]  }
0xdf: {  	[tilespmem:$0x1FEC0] =	vst v1;
	v1 =	vld [tilespmem:$0xB10]  }
0xe0: {  	v34 =	vld [tilespmem:$0xC70]  }
0xe1: {  	v35 =	vld [tilespmem:$0xE70]  }
0xe2: {  	v36 =	vld [tilespmem:$0x880]  }
0xe3: {  	v37 =	vld [tilespmem:$0xA80]  }
0xe4: {  	[tilespmem:$0x1FF10] =	vst v1;
	v1 =	vld [tilespmem:$0xD10]  }
0xe5: {  	v38 =	vld [tilespmem:$0xC80]  }
0xe6: {  	v39 =	vld [tilespmem:$0xE80]  }
0xe7: {  	v40 =	vld [tilespmem:$0x890]  }
0xe8: {  	v41 =	vld [tilespmem:$0xA90]  }
0xe9: {  	[tilespmem:$0x1FF20] =	vst v1;
	v1 =	vld [tilespmem:$0xF10]  }
0xea: {  	v42 =	vld [tilespmem:$0xC90]  }
0xeb: {  	v43 =	vld [tilespmem:$0xE90]  }
0xec: {  	v44 =	vld [tilespmem:$0x8A0]  }
0xed: {  	v45 =	vld [tilespmem:$0xAA0]  }
0xee: {  	[tilespmem:$0x1FF30] =	vst v1;
	v1 =	vld [tilespmem:$0x920]  }
0xef: {  	v46 =	vld [tilespmem:$0xCA0]  }
0xf0: {  	v47 =	vld [tilespmem:$0xEA0]  }
0xf1: {  	v48 =	vld [tilespmem:$0x8B0]  }
0xf2: {  	v49 =	vld [tilespmem:$0xAB0]  }
0xf3: {  	[tilespmem:$0x1FF00] =	vst v1;
	v1 =	vld [tilespmem:$0xB20]  }
0xf4: {  	v50 =	vld [tilespmem:$0xCB0]  }
0xf5: {  	v51 =	vld [tilespmem:$0xEB0]  }
0xf6: {  	v52 =	vld [tilespmem:$0x8C0]  }
0xf7: {  	v53 =	vld [tilespmem:$0xAC0]  }
0xf8: {  	[tilespmem:$0x1FF50] =	vst v1;
	v1 =	vld [tilespmem:$0xD20]  }
0xf9: {  	v54 =	vld [tilespmem:$0xCC0]  }
0xfa: {  	v55 =	vld [tilespmem:$0xEC0]  }
0xfb: {  	v56 =	vld [tilespmem:$0x8D0]  }
0xfc: {  	v57 =	vld [tilespmem:$0xAD0]  }
0xfd: {  	[tilespmem:$0x1FF60] =	vst v1;
	v1 =	vld [tilespmem:$0xF20]  }
0xfe: {  	v58 =	vld [tilespmem:$0xCD0]  }
0xff: {  	v59 =	vld [tilespmem:$0xED0]  }
0x100: {  	v60 =	vld [tilespmem:$0x8E0]  }
0x101: {  	v61 =	vld [tilespmem:$0xAE0]  }
0x102: {  	[tilespmem:$0x1FF70] =	vst v1;
	v1 =	vld [tilespmem:$0x930]  }
0x103: {  	v62 =	vld [tilespmem:$0xCE0]  }
0x104: {  	v63 =	vld [tilespmem:$0xEE0]  }
0x105: {  	v4 =	vld [tilespmem:$0x8F0]  }
0x106: {  	v2 =	vadd.f32 v5, v0;
	v5 =	vld [tilespmem:$0xD50]  }
0x107: {  	v19 =	vmul.f32 v19, v18;
	[tilespmem:$0x1FF40] =	vst v1;
	v1 =	vld [tilespmem:$0xB30]  }
0x108: {  	v18 =	vld [tilespmem:$0xB70];
	v2 =	vadd.f32 v9, v2;
	v9 =	vmul.f32 v11, v10;
	v10 =	vadd.f32 v16, v0  }
0x109: {  	v11 =	vld [tilespmem:$0x960]  }
0x10a: {  	v16 =	vmul.f32 v15, v14;
	v14 =	vld [tilespmem:$0xF60];
	v17 =	vadd.f32 v17, v10  }
0x10b: {  	v15 =	vld [tilespmem:$0x970];
	v10 =	vadd.f32 v24, v0;
	v24 =	vadd.f32 v28, v0  }
0x10c: {  	v26 =	vmul.f32 v27, v26;
	v27 =	vadd.f32 v32, v0;
	[tilespmem:$0x1FF80] =	vst v1;
	v1 =	vld [tilespmem:$0xD30]  }
0x10d: {  	v32 =	vadd.f32 v36, v0;
	v28 =	vadd.f32 v29, v24;
	v24 =	vld [tilespmem:$0xB80]  }
0x10e: {  	v2 =	vadd.f32 v9, v2;
	v10 =	vadd.f32 v25, v10;
	v25 =	vld [tilespmem:$0xD80]  }
0x10f: {  	v9 =	vadd.f32 v19, v17;
	v17 =	vadd.f32 v37, v32;
	v32 =	vld [tilespmem:$0xB90]  }
0x110: {  	v36 =	vmul.f32 v43, v42;
	v42 =	vadd.f32 v52, v0;
	v52 =	vld [tilespmem:$0x1FE90]  }
0x111: {  	[tilespmem:$0x1FF90] =	vst v1;
	v1 =	vld [tilespmem:$0xF30]  }
0x112: {  	v43 =	vadd.f32 v56, v0;
	v29 =	vmul.f32 v31, v30;
	v30 =	vadd.f32 v33, v27;
	v27 =	vld [tilespmem:$0xBB0]  }
0x113: {  	v31 =	vmul.f32 v35, v34;
	v35 =	vadd.f32 v44, v0;
	v44 =	vadd.f32 v53, v42;
	v42 =	vld [tilespmem:$0x9C0]  }
0x114: {  	v34 =	vmul.f32 v39, v38;
	v39 =	vmul.f32 v47, v46;
	v47 =	vadd.f32 v57, v43;
	v43 =	vld [tilespmem:$0xBD0]  }
0x115: {  	v19 =	vadd.f32 v31, v30;
	v31 =	vld [tilespmem:$0x990]  }
0x116: {  	[tilespmem:$0x1FFA0] =	vst v1;
	v1 =	vld [tilespmem:$0x940]  }
0x117: {  	v37 =	vadd.f32 v48, v0;
	v17 =	vadd.f32 v34, v17;
	v34 =	vld [tilespmem:$0xF90]  }
0x118: {  	v38 =	vadd.f32 v45, v35;
	v35 =	vld [tilespmem:$0x9A0]  }
0x119: {  	v33 =	vadd.f32 v40, v0;
	v40 =	vadd.f32 v49, v37;
	v37 =	vld [tilespmem:$0xBA0]  }
0x11a: {  	v30 =	vld [tilespmem:$0x9B0]  }
0x11b: {  	v10 =	vadd.f32 v26, v10;
	[tilespmem:$0x1FFB0] =	vst v1;
	v1 =	vld [tilespmem:$0xB40]  }
0x11c: {  	v26 =	vadd.f32 v39, v38;
	v38 =	vld [tilespmem:$0xDA0]  }
0x11d: {  	[tilespmem:$0x10D0] =	vst v10;
	v10 =	vld [tilespmem:$0xDB0]  }
0x11e: {  	v53 =	vld [tilespmem:$0x1FEA0]  }
0x11f: {  	[tilespmem:$0x1120] =	vst v26;
	v26 =	vld [tilespmem:$0xFC0]  }
0x120: {  	[tilespmem:$0x1FFD0] =	vst v1;
	v1 =	vld [tilespmem:$0xD40]  }
0x121: {  	v45 =	vmul.f32 v55, v54;
	v54 =	vld [tilespmem:$0x1FEB0]  }
0x122: {  	v56 =	vld [tilespmem:$0x1FED0]  }
0x123: {  	v57 =	vld [tilespmem:$0x1FEE0]  }
0x124: {  	v48 =	vmul.f32 v59, v58;
	v58 =	vld [tilespmem:$0x1FEF0]  }
0x125: {  	[tilespmem:$0x1FFE0] =	vst v1;
	v1 =	vld [tilespmem:$0xF40]  }
0x126: {  	v46 =	vadd.f32 v60, v0;
	v55 =	vld [tilespmem:$0x1FEC0]  }
0x127: {  	v60 =	vld [tilespmem:$0x1FF10]  }
0x128: {  	v49 =	vadd.f32 v61, v46;
	v61 =	vld [tilespmem:$0x1FF20]  }
0x129: {  	v59 =	vld [tilespmem:$0x1FF00]  }
0x12a: {  	[tilespmem:$0x1FFF0] =	vst v1;
	v1 =	vld [tilespmem:$0x950]  }
0x12b: {  	v46 =	vld [tilespmem:$0x1FF70]  }
0x12c: {  	[tilespmem:$0x1090] =	vst v2;
	v2 =	vadd.f32 v48, v47;
	v47 =	vld [tilespmem:$0x1FF80]  }
0x12d: {  	v48 =	vld [tilespmem:$0x1FF90]  }
0x12e: {  	[tilespmem:$0x10B0] =	vst v9;
	v9 =	vmul.f32 v53, v52;
	v52 =	vld [tilespmem:$0x1FFD0]  }
0x12f: {  	v53 =	vld [tilespmem:$0x1FFE0];
	[tilespmem:$0x1FFC0] =	vst v1;
	v1 =	vadd.f32 v3, v0  }
0x130: {  	v20 =	vadd.f32 v20, v0;
	v3 =	vld [tilespmem:$0xB50]  }
0x131: {  	v1 =	vadd.f32 v6, v1;
	v6 =	vmul.f32 v8, v7;
	v8 =	vld [tilespmem:$0xF50]  }
0x132: {  	v7 =	vadd.f32 v21, v20;
	v21 =	vld [tilespmem:$0xD70]  }
0x133: {  	v20 =	vadd.f32 v41, v33;
	v33 =	vld [tilespmem:$0xD90]  }
0x134: {  	v41 =	vmul.f32 v51, v50;
	v51 =	vld [tilespmem:$0x1FE80]  }
0x135: {  	v12 =	vadd.f32 v12, v0;
	v50 =	vmul.f32 v63, v62;
	v62 =	vld [tilespmem:$0x1FF30]  }
0x136: {  	v63 =	vld [tilespmem:$0x1FF40]  }
0x137: {  	v1 =	vadd.f32 v6, v1;
	v6 =	vadd.f32 v13, v12;
	v12 =	vld [tilespmem:$0xB60]  }
0x138: {  	v13 =	vld [tilespmem:$0xD60]  }
0x139: {  	v20 =	vadd.f32 v36, v20;
	v36 =	vld [tilespmem:$0xFA0]  }
0x13a: {  	v6 =	vadd.f32 v16, v6;
	v16 =	vmul.f32 v23, v22;
	v22 =	vld [tilespmem:$0xF70]  }
0x13b: {  	v4 =	vadd.f32 v4, v0;
	v11 =	vadd.f32 v11, v0;
	v23 =	vld [tilespmem:$0x980]  }
0x13c: {  	v39 =	vadd.f32 v59, v0;
	[tilespmem:$0x1080] =	vst v1;
	v1 =	vadd.f32 v45, v44;
	v44 =	vld [tilespmem:$0x1FF50]  }
0x13d: {  	v45 =	vld [tilespmem:$0x1FF60];
	v4 =	vadd.f32 v51, v4;
	v7 =	vadd.f32 v16, v7  }
0x13e: {  	[tilespmem:$0x10F0] =	vst v19;
	v51 =	vld [tilespmem:$0x1FFC0];
	v16 =	vadd.f32 v29, v28;
	v29 =	vadd.f32 v41, v40  }
0x13f: {  	v28 =	vld [tilespmem:$0xF80];
	[tilespmem:$0x10A0] =	vst v6;
	v6 =	vadd.f32 v50, v49;
	v41 =	vadd.f32 v63, v0  }
0x140: {  	v19 =	vmul.f32 v62, v61;
	v40 =	vld [tilespmem:$0xFB0];
	v4 =	vadd.f32 v9, v4;
	v9 =	vadd.f32 v55, v0;
	[tilespmem:$0x10C0] =	vst v7  }
0x141: {  	v49 =	vld [tilespmem:$0x1FFA0];
	v7 =	vadd.f32 v54, v0;
	[tilespmem:$0x10E0] =	vst v16;
	v16 =	vmul.f32 v58, v57;
	v57 =	vadd.f32 v15, v0  }
0x142: {  	v63 =	vld [tilespmem:$0x9E0];
	v59 =	vmul.f32 v14, v13;
	v58 =	vadd.f32 v12, v11;
	v9 =	vadd.f32 v60, v9  }
0x143: {  	v50 =	vld [tilespmem:$0x1FFB0];
	[tilespmem:$0x1130] =	vst v29;
	v62 =	vmul.f32 v22, v21;
	v22 =	vadd.f32 v31, v0;
	v7 =	vadd.f32 v56, v7  }
0x144: {  	v29 =	vld [tilespmem:$0x9D0];
	[tilespmem:$0x1160] =	vst v6;
	v61 =	vadd.f32 v18, v57;
	v6 =	vadd.f32 v59, v58  }
0x145: {  	[tilespmem:$0x1100] =	vst v17;
	v54 =	vld [tilespmem:$0x1FFF0];
	v56 =	vmul.f32 v8, v5;
	v9 =	vadd.f32 v19, v9;
	v19 =	vadd.f32 v47, v41  }
0x146: {  	v60 =	vld [tilespmem:$0xFD0];
	[tilespmem:$0x1170] =	vst v4;
	v25 =	vmul.f32 v28, v25;
	v28 =	vadd.f32 v35, v0;
	v4 =	vadd.f32 v32, v22  }
0x147: {  	[tilespmem:$0x1110] =	vst v20;
	v21 =	vld [tilespmem:$0xBE0];
	v20 =	vmul.f32 v49, v48;
	v35 =	vadd.f32 v30, v0;
	v5 =	vadd.f32 v63, v0  }
0x148: {  	[tilespmem:$0x1150] =	vst v2;
	v34 =	vmul.f32 v34, v33;
	v31 =	vld [tilespmem:$0xFE0];
	v7 =	vadd.f32 v16, v7;
	v16 =	vadd.f32 v44, v39  }
0x149: {  	[tilespmem:$0x1140] =	vst v1;
	v17 =	vmul.f32 v46, v45;
	v8 =	vld [tilespmem:$0xDD0];
	v19 =	vadd.f32 v20, v19;
	v20 =	vadd.f32 v51, v0  }
0x14a: {  	v41 =	vld [tilespmem:$0xDC0];
	[tilespmem:$0x11E0] =	vst v6;
	v46 =	vadd.f32 v37, v28;
	v49 =	vadd.f32 v34, v4  }
0x14b: {  	v48 =	vld [tilespmem:$0xBF0];
	[tilespmem:$0x1190] =	vst v9;
	v16 =	vadd.f32 v17, v16;
	v17 =	vadd.f32 v50, v0  }
0x14c: {  	v47 =	vmul.f32 v36, v38;
	v44 =	vld [tilespmem:$0x9F0];
	[tilespmem:$0x1180] =	vst v7;
	v50 =	vadd.f32 v27, v35;
	v55 =	vadd.f32 v3, v20  }
0x14d: {  	v39 =	vld [tilespmem:$0xBC0];
	v20 =	vadd.f32 v23, v0;
	v3 =	vadd.f32 v62, v61;
	[tilespmem:$0x11B0] =	vst v19  }
0x14e: {  	v10 =	vmul.f32 v40, v10;
	v51 =	vld [tilespmem:$0xDF0];
	[tilespmem:$0x1210] =	vst v49;
	v1 =	vadd.f32 v52, v17;
	v52 =	vadd.f32 v47, v46  }
0x14f: {  	v23 =	vld [tilespmem:$0xDE0];
	v17 =	vmul.f32 v54, v53;
	[tilespmem:$0x11A0] =	vst v16;
	v53 =	vadd.f32 v42, v0;
	v2 =	vadd.f32 v56, v55  }
0x150: {  	v54 =	vld [tilespmem:$0xFF0];
	v7 =	vadd.f32 v24, v20;
	[tilespmem:$0x11F0] =	vst v3;
	v55 =	vadd.f32 v10, v50  }
0x151: {  	v56 =	vadd.f32 v29, v0;
	v0 =	vadd.f32 v44, v0;
	[tilespmem:$0x1220] =	vst v52  }
0x152: {  	v58 =	vmul.f32 v26, v41;
	v1 =	vadd.f32 v17, v1;
	v57 =	vadd.f32 v39, v53;
	[tilespmem:$0x11D0] =	vst v2  }
0x153: {  	v60 =	vmul.f32 v60, v8;
	v45 =	vadd.f32 v25, v7;
	v59 =	vadd.f32 v43, v56;
	[tilespmem:$0x1230] =	vst v55  }
0x154: {  	v5 =	vadd.f32 v21, v5;
	[tilespmem:$0x11C0] =	vst v1;
	v1 =	vadd.f32 v58, v57;
	v61 =	vmul.f32 v31, v23  }
0x155: {  	v0 =	vadd.f32 v48, v0;
	[tilespmem:$0x1200] =	vst v45;
	v2 =	vadd.f32 v60, v59;
	v62 =	vmul.f32 v54, v51  }
0x156: {  	[tilespmem:$0x1240] =	vst v1;
	v63 =	vadd.f32 v61, v5  }
0x157: {  	[tilespmem:$0x1250] =	vst v2;
	v0 =	vadd.f32 v62, v0  }
0x158: {  	p0 =	sne.s32 s7, $0x1;
	[tilespmem:$0x1260] =	vst v63  }
.Ltmp0:
0x159: {  	s13 =	rddreg [dreg:$0x6];
	[tilespmem:$0x1270] =	vst v0;
	(pc) =	sbr.rel @p0 .LBB2_1-.Ltmp0, $4  }
0x15a: {  	[hbm4b:s13+s2] =	stream.linear.scatter [tilespmem:s0], [sflag:$0x2], $0x200, $0x38;
	[tilespmem:$0x1280] =	vst v63  }
0x15b: {  	_ =	swait.ge [sflag:s8], $0x200  }
0x15c: {  	[sflag:s8] =	ssyncset.done $0x0  }
0x15d: {  	s7 =	sadd.s32 $0xFFFFFFFF, s7;
	[sflag:s8] =	ssyncadd.s32 $0xFFFFFE00  }
0x15e: {  	_ =	sfence.sel $0x180000  }
0x15f: {  	[bflag:$0x0] =	sbarrier.arrive $0xFFFF  }
0x160: {  	_ =	strace $0x90000047  }
0x161: {  	s0 =	stileid.u32;
	[bflag:$0x2] =	sbarrier.arrive $0xFFFF  }
0x162: {  	p0 =	sne.s32 s0, $0x0;
	s0 =	rddreg [dreg:$0x2]  }
0x163: {  	s0 =	sadd.s32 @!p0 $0x100000, s0  }
0x164: {  	[sflag:s0] =	ssyncadd.tile.s32 @!p0 $0x1;
	_ =	shalt  }
.Lfunc_end2:
_tile_overlayer_lowered:
.L_overlay_start_2:
0x165: {  	(tag) =	ssettag $0x2  }
0x166: {  	s0 =	rddreg [dreg:$0x0];
	s2 =	stileid.u32  }
0x167: {  	s1 =	rddreg [dreg:$0x1];
	p0 =	sne.s32 s2, $0x0  }
0x168: {  	s3 =	rddreg [dreg:$0x2];
	[bflag:$0x3] =	sbarrier.arrive $0xFFFF;
	s2 =	simm.s32 @!p0 $0x1C02  }
0x169: {  	[timem:s3], [sflag:s2] =	dma.local @!p0 [hbm:s0], s1  }
0x16a: {  	s0 =	simm.s32 @!p0 $0x2  }
0x16b: {  	_ =	swait.ge @!p0 [sflag:s0], s1  }
0x16c: {  	s1 =	ssub.s32 @!p0 $0x0, s1;
	[sflag:s0] =	ssyncset.done @!p0 $0x0  }
0x16d: {  	[sflag:s0] =	ssyncadd.s32 @!p0 s1  }
0x16e: {  	[bflag:$0x3] =	sbarrier.arrive $0xFFFF  }
0x16f: {  	_ =	shalt  }

</sc_bundles>
